<compile_context>
chip_gen: v7x
topology: tpu7x:2x2x1
jax: 0.10.2.dev20260603
libtpu: 0.0.44.dev20260713+nightly
codegen_flags: <defaults>
</compile_context>

<pallas_src>
import functools

import jax
import jax.numpy as jnp
import numpy as np
from jax import lax
from jax.experimental import pallas as pl
from jax.experimental.pallas import tpu as pltpu
from jax.experimental.pallas import tpu_sc as plsc

B = 2
N = 8192
M = N // 4
NS = 32
CIN = 128
CMID = 128
COUT = 256
RADIUS = 0.1
EPS = 1e-5
BN_ = B * N
NT2 = B * M * NS
PAD = 128

R2 = np.float32(RADIUS * RADIUS)

TN1 = 2048
TN2 = 1024
TM = 256
RT = 1024

NC = 2
NSUB = 16
NW = NC * NSUB
CH = 128



def _k_stats1(w1_ref, f_ref, sq_ref):
    z = jnp.dot(w1_ref[...], f_ref[...], preferred_element_type=jnp.float32)
    @pl.when(pl.program_id(0) == 0)
    def _():
        sq_ref[...] = jnp.zeros_like(sq_ref)
    sq_ref[0:1, :] += jnp.sum(z, axis=1, keepdims=True).T
    sq_ref[1:2, :] += jnp.sum(z * z, axis=1, keepdims=True).T


def _k_mlp1(w1a_ref, c1_ref, w2_ref, f_ref, z2t_ref, sq_ref):
    z1 = jnp.dot(w1a_ref[...], f_ref[...], preferred_element_type=jnp.float32)
    r = jnp.maximum(z1 + c1_ref[...], 0.0)
    z2t = lax.dot_general(r, w2_ref[...], (((0,), (1,)), ((), ())),
                          preferred_element_type=jnp.float32)
    z2t_ref[...] = z2t
    @pl.when(pl.program_id(0) == 0)
    def _():
        sq_ref[...] = jnp.zeros_like(sq_ref)
    sq_ref[0:1, :] += jnp.sum(z2t, axis=0, keepdims=True)
    sq_ref[1:2, :] += jnp.sum(z2t * z2t, axis=0, keepdims=True)


def _k_ball(pt_ref, c_ref, idx_ref):
    b = pl.program_id(0)
    pt = pt_ref[0]
    d = None
    for c in range(3):
        diff = c_ref[:, c:c + 1] - pt[c:c + 1, :]
        sq = diff * diff
        d = sq if d is None else d + sq
    hits = jnp.where(d <= R2, 1.0, 0.0)
    cs = hits
    sh = 1
    while sh < N:
        cs = cs + jnp.concatenate(
            [jnp.zeros((TM, sh), jnp.float32), cs[:, :N - sh]], axis=1)
        sh *= 2
    ones_col = jnp.ones((N, 1), jnp.float32)
    cols = []
    for k in range(NS):
        cmpf = jnp.where(cs <= jnp.float32(k), 1.0, 0.0)
        cols.append(jnp.dot(cmpf, ones_col,
                            preferred_element_type=jnp.float32))
    idx = jnp.concatenate(cols, axis=1).astype(jnp.int32)
    first = idx[:, 0:1]
    idx = jnp.where(idx == N, first, idx)
    idx_ref[...] = idx + b * N


def _dp_tile(gx_ref, np_ref):
    gx = gx_ref[...]
    npv = np_ref[...]
    dp = (gx.reshape(RT // NS, NS, PAD) - npv[:, None, :]) / jnp.float32(RADIUS)
    return dp.reshape(RT, PAD)


def _k_dpstats(gx_ref, np_ref, s_ref, c_ref):
    dp = _dp_tile(gx_ref, np_ref)
    @pl.when(pl.program_id(0) == 0)
    def _():
        s_ref[...] = jnp.zeros_like(s_ref)
        c_ref[...] = jnp.zeros_like(c_ref)
    s_ref[0:1, :] += jnp.sum(dp, axis=0, keepdims=True)
    c_ref[...] += lax.dot_general(dp, dp, (((0,), (0,)), ((), ())),
                                  preferred_element_type=jnp.float32)


def _k_r3stats(gx_ref, np_ref, w3_ref, c3_ref, s_ref, c_ref):
    dp = _dp_tile(gx_ref, np_ref)
    r3 = jnp.maximum(
        lax.dot_general(dp, w3_ref[...], (((1,), (1,)), ((), ())),
                        preferred_element_type=jnp.float32) + c3_ref[...], 0.0)
    @pl.when(pl.program_id(0) == 0)
    def _():
        s_ref[...] = jnp.zeros_like(s_ref)
        c_ref[...] = jnp.zeros_like(c_ref)
    s_ref[0:1, :] += jnp.sum(r3, axis=0, keepdims=True)
    c_ref[...] += lax.dot_general(r3, r3, (((0,), (0,)), ((), ())),
                                  preferred_element_type=jnp.float32)


def _k_final(gx_ref, np_ref, fz_ref, w3_ref, c3_ref, w4_ref, c4_ref,
             a2_ref, c2_ref, o_ref):
    dp = _dp_tile(gx_ref, np_ref)
    r3 = jnp.maximum(
        lax.dot_general(dp, w3_ref[...], (((1,), (1,)), ((), ())),
                        preferred_element_type=jnp.float32) + c3_ref[...], 0.0)
    pe = jnp.maximum(
        lax.dot_general(r3, w4_ref[...], (((1,), (1,)), ((), ())),
                        preferred_element_type=jnp.float32) + c4_ref[...], 0.0)
    fj = jnp.maximum(fz_ref[...] * a2_ref[...] + c2_ref[...], 0.0)
    v = pe + fj
    o_ref[...] = jnp.max(v.reshape(RT // NS, NS, COUT), axis=1)



@functools.cache
def _build_sc_gather_np():
    mesh = plsc.VectorSubcoreMesh(core_axis_name="c", subcore_axis_name="s")

    @functools.partial(
        pl.kernel, mesh=mesh,
        out_type=jax.ShapeDtypeStruct((B * M, PAD), jnp.float32),
        scratch_types=[pltpu.VMEM((CH,), jnp.int32),
                       pltpu.VMEM((CH, PAD), jnp.float32),
                       pltpu.SemaphoreType.DMA])
    def gather_np(ptab, sidx, out, idx_v, rows_v, sem):
        wid = lax.axis_index("s") * NC + lax.axis_index("c")
        base = wid * (B * M // NW)
        pltpu.sync_copy(sidx.at[pl.ds(base, CH)], idx_v)
        pltpu.async_copy(ptab.at[idx_v], rows_v, sem).wait()
        pltpu.sync_copy(rows_v, out.at[pl.ds(base, CH)])

    return gather_np


@functools.cache
def _build_sc_gather_rows(width):
    mesh = plsc.VectorSubcoreMesh(core_axis_name="c", subcore_axis_name="s")

    @functools.partial(
        pl.kernel, mesh=mesh,
        out_type=jax.ShapeDtypeStruct((NT2, width), jnp.float32),
        scratch_types=[pltpu.VMEM((CH,), jnp.int32),
                       pltpu.VMEM((CH, width), jnp.float32),
                       pltpu.SemaphoreType.DMA])
    def gather_rows(tab, gidx, out, idx_v, rows_v, sem):
        wid = lax.axis_index("s") * NC + lax.axis_index("c")
        rpw = NT2 // NW
        base = wid * rpw

        def body(i, carry):
            off = base + i * CH
            pltpu.sync_copy(gidx.at[pl.ds(off, CH)], idx_v)
            pltpu.async_copy(tab.at[idx_v], rows_v, sem).wait()
            pltpu.sync_copy(rows_v, out.at[pl.ds(off, CH)])
            return carry

        lax.fori_loop(0, rpw // CH, body, 0)

    return gather_rows


def _sc_gather_np(ptab, sidx):
    return _build_sc_gather_np()(ptab, sidx)


def _sc_gather_feat(ztab, gidx):
    return _build_sc_gather_rows(COUT)(ztab, gidx)


def _sc_gather_xyz(ptab, gidx):
    return _build_sc_gather_rows(PAD)(ptab, gidx)



def _fold_bn(s, q, n, g, b):
    mu = s / n
    var = q / n - mu * mu
    a = g / jnp.sqrt(var + EPS)
    return a, b - a * mu


def kernel(p, f, sample_idx, c1w1, g1, b1, c1w2, g2, b2,
           c2w1, g3, b3, c2w2, g4, b4):
    f32 = jnp.float32
    f2d = f.transpose(1, 0, 2).reshape(CIN, BN_)

    sq1 = pl.pallas_call(
        _k_stats1,
        grid=(BN_ // TN1,),
        in_specs=[pl.BlockSpec((CIN, CIN), lambda i: (0, 0)),
                  pl.BlockSpec((CIN, TN1), lambda i: (0, i))],
        out_specs=pl.BlockSpec((8, CIN), lambda i: (0, 0)),
        out_shape=jax.ShapeDtypeStruct((8, CIN), f32),
    )(c1w1, f2d)
    a1, c1v = _fold_bn(sq1[0], sq1[1], BN_, g1, b1)
    w1a = a1[:, None] * c1w1

    z2t, sq2 = pl.pallas_call(
        _k_mlp1,
        grid=(BN_ // TN2,),
        in_specs=[pl.BlockSpec((CIN, CIN), lambda i: (0, 0)),
                  pl.BlockSpec((CIN, 1), lambda i: (0, 0)),
                  pl.BlockSpec((COUT, CMID), lambda i: (0, 0)),
                  pl.BlockSpec((CIN, TN2), lambda i: (0, i))],
        out_specs=[pl.BlockSpec((TN2, COUT), lambda i: (i, 0)),
                   pl.BlockSpec((8, COUT), lambda i: (0, 0))],
        out_shape=[jax.ShapeDtypeStruct((BN_, COUT), f32),
                   jax.ShapeDtypeStruct((8, COUT), f32)],
    )(w1a, c1v[:, None], c1w2, f2d)
    a2, c2v = _fold_bn(sq2[0], sq2[1], BN_, g2, b2)

    p_pad = jnp.pad(p.reshape(BN_, 3), ((0, 0), (0, PAD - 3)))
    sidxg = (sample_idx.astype(jnp.int32)
             + (jnp.arange(B, dtype=jnp.int32) * N)[:, None]).reshape(B * M)
    npg = _sc_gather_np(p_pad, sidxg)
    new_p = npg[:, :3].reshape(B, M, 3)

    pt8 = jnp.pad(p.transpose(0, 2, 1), ((0, 0), (0, 5), (0, 0)))
    idx2d = pl.pallas_call(
        _k_ball,
        grid=(B, M // TM),
        in_specs=[pl.BlockSpec((1, 8, N), lambda b, t: (b, 0, 0)),
                  pl.BlockSpec((TM, PAD), lambda b, t: (b * (M // TM) + t, 0))],
        out_specs=pl.BlockSpec((TM, NS), lambda b, t: (b * (M // TM) + t, 0)),
        out_shape=jax.ShapeDtypeStruct((B * M, NS), jnp.int32),
    )(pt8, npg)
    gidx = idx2d.reshape(NT2)

    gxp = _sc_gather_xyz(p_pad, gidx)
    fz2 = _sc_gather_feat(z2t, gidx)

    row_specs = [pl.BlockSpec((RT, PAD), lambda i: (i, 0)),
                 pl.BlockSpec((RT // NS, PAD), lambda i: (i, 0))]
    sdp, cdp = pl.pallas_call(
        _k_dpstats,
        grid=(NT2 // RT,),
        in_specs=row_specs,
        out_specs=[pl.BlockSpec((8, PAD), lambda i: (0, 0)),
                   pl.BlockSpec((PAD, PAD), lambda i: (0, 0))],
        out_shape=[jax.ShapeDtypeStruct((8, PAD), f32),
                   jax.ShapeDtypeStruct((PAD, PAD), f32)],
    )(gxp, npg)
    w3p = jnp.zeros((CMID, PAD), f32).at[:, :3].set(c2w1)
    mu3 = w3p @ (sdp[0] / NT2)
    e3 = jnp.sum((w3p @ (cdp / NT2)) * w3p, axis=1)
    a3 = g3 / jnp.sqrt(e3 - mu3 * mu3 + EPS)
    c3v = b3 - a3 * mu3
    w3a = a3[:, None] * w3p

    s3, c3m = pl.pallas_call(
        _k_r3stats,
        grid=(NT2 // RT,),
        in_specs=row_specs + [pl.BlockSpec((CMID, PAD), lambda i: (0, 0)),
                              pl.BlockSpec((1, CMID), lambda i: (0, 0))],
        out_specs=[pl.BlockSpec((8, CMID), lambda i: (0, 0)),
                   pl.BlockSpec((CMID, CMID), lambda i: (0, 0))],
        out_shape=[jax.ShapeDtypeStruct((8, CMID), f32),
                   jax.ShapeDtypeStruct((CMID, CMID), f32)],
    )(gxp, npg, w3a, c3v[None, :])
    mu4 = c2w2 @ (s3[0] / NT2)
    e4 = jnp.sum((c2w2 @ (c3m / NT2)) * c2w2, axis=1)
    a4 = g4 / jnp.sqrt(e4 - mu4 * mu4 + EPS)
    c4v = b4 - a4 * mu4
    w4a = a4[:, None] * c2w2

    out2d = pl.pallas_call(
        _k_final,
        grid=(NT2 // RT,),
        in_specs=row_specs + [
            pl.BlockSpec((RT, COUT), lambda i: (i, 0)),
            pl.BlockSpec((CMID, PAD), lambda i: (0, 0)),
            pl.BlockSpec((1, CMID), lambda i: (0, 0)),
            pl.BlockSpec((COUT, CMID), lambda i: (0, 0)),
            pl.BlockSpec((1, COUT), lambda i: (0, 0)),
            pl.BlockSpec((1, COUT), lambda i: (0, 0)),
            pl.BlockSpec((1, COUT), lambda i: (0, 0))],
        out_specs=pl.BlockSpec((RT // NS, COUT), lambda i: (i, 0)),
        out_shape=jax.ShapeDtypeStruct((B * M, COUT), f32),
    )(gxp, npg, fz2, w3a, c3v[None, :], w4a, c4v[None, :],
      a2[None, :], c2v[None, :])

    out = out2d.reshape(B, M, COUT).transpose(0, 2, 1)
    return (new_p, out)

# --- scband reference (transcript-rebuilt; emitter-appended) ---
"""Pipeline reference for scband-sarep-5231270166862 (READ-ONLY COPY).

The authoritative reference and input builder live on the scoring server;
editing this copy changes nothing except your own understanding.
"""

import jax, jax.numpy as jnp
import numpy as np

B = 2; N = 8192; STRIDE = 4; M = N // STRIDE; NS = 32
CIN = 128; CMID = 128; COUT = 256
RADIUS = 0.1; EPS = 1e-5


def _bn1d(x, g, b):
    m = jnp.mean(x, axis=(0, 2), keepdims=True)
    v = jnp.mean((x - m) ** 2, axis=(0, 2), keepdims=True)
    return g[None, :, None] * (x - m) / jnp.sqrt(v + EPS) + b[None, :, None]


def _bn2d(x, g, b):
    m = jnp.mean(x, axis=(0, 2, 3), keepdims=True)
    v = jnp.mean((x - m) ** 2, axis=(0, 2, 3), keepdims=True)
    return g[None, :, None, None] * (x - m) / jnp.sqrt(v + EPS) + b[None, :, None, None]


def setup_inputs(seed: int = 0):
    key = jax.random.key(seed)
    ks = jax.random.split(key, 8)
    p = jax.random.uniform(ks[0], (B, N, 3), dtype=jnp.float32)
    f = jax.random.normal(ks[1], (B, CIN, N), dtype=jnp.float32)
    sample_idx = jax.random.randint(ks[2], (B, M), 0, N)
    c1w1 = jax.random.normal(ks[3], (CMID, CIN), dtype=jnp.float32) / np.sqrt(CIN)
    c1w2 = jax.random.normal(ks[4], (COUT, CMID), dtype=jnp.float32) / np.sqrt(CMID)
    c2w1 = jax.random.normal(ks[5], (CMID, 3), dtype=jnp.float32) / np.sqrt(3.0)
    c2w2 = jax.random.normal(ks[6], (COUT, CMID), dtype=jnp.float32) / np.sqrt(CMID)
    g1 = jnp.ones((CMID,), jnp.float32); b1 = jnp.zeros((CMID,), jnp.float32)
    g2 = jnp.ones((COUT,), jnp.float32); b2 = jnp.zeros((COUT,), jnp.float32)
    g3 = jnp.ones((CMID,), jnp.float32); b3 = jnp.zeros((CMID,), jnp.float32)
    g4 = jnp.ones((COUT,), jnp.float32); b4 = jnp.zeros((COUT,), jnp.float32)
    return {"p": p, "f": f, "sample_idx": sample_idx,
            "c1w1": c1w1, "g1": g1, "b1": b1, "c1w2": c1w2, "g2": g2, "b2": b2,
            "c2w1": c2w1, "g3": g3, "b3": b3, "c2w2": c2w2, "g4": g4, "b4": b4}


def reference(p, f, sample_idx, c1w1, g1, b1, c1w2, g2, b2, c2w1, g3, b3, c2w2, g4, b4):
    # random_sample: externally drawn indices of M centroids
    new_p = jnp.take_along_axis(p, sample_idx[:, :, None], axis=1)  # [B, M, 3]
    # convs1: two 1x1 conv1d blocks (conv-norm-act)
    h = jnp.einsum('oc,bcn->bon', c1w1, f)
    h = jax.nn.relu(_bn1d(h, g1, b1))
    h = jnp.einsum('oc,bcn->bon', c1w2, h)
    h = jax.nn.relu(_bn1d(h, g2, b2))  # [B, COUT, N]
    # ball query grouper (radius, nsample), pad with first valid neighbor
    d2 = jnp.sum((new_p[:, :, None, :] - p[:, None, :, :]) ** 2, axis=-1)  # [B, M, N]
    idx = jnp.where(d2 <= RADIUS * RADIUS, jnp.arange(N, dtype=jnp.int32)[None, None, :], N)
    idx = jnp.sort(idx, axis=-1)[:, :, :NS]
    first = idx[:, :, 0:1]
    idx = jnp.where(idx == N, first, idx)  # [B, M, NS]
    grouped_xyz = jax.vmap(lambda pb, ib: pb[ib])(p, idx)  # [B, M, NS, 3]
    dp = (grouped_xyz - new_p[:, :, None, :]) / RADIUS  # normalize_dp
    dp = jnp.transpose(dp, (0, 3, 1, 2))  # [B, 3, M, NS]
    fj = jax.vmap(lambda fb, ib: fb[:, ib])(h, idx)  # [B, COUT, M, NS]
    # convs2: two 1x1 conv2d blocks on relative positions -> positional encoding
    pe = jnp.einsum('oc,bcmn->bomn', c2w1, dp)
    pe = jax.nn.relu(_bn2d(pe, g3, b3))
    pe = jnp.einsum('oc,bcmn->bomn', c2w2, pe)
    pe = jax.nn.relu(_bn2d(pe, g4, b4))
    out = pe + fj
    out = jnp.max(out, axis=-1)  # max pool over neighbors -> [B, COUT, M]
    return (new_p, out)

if __name__ == "__main__":
    import jax
    _d = setup_inputs()
    print(jax.jit(kernel)(*tuple(_d.values())))

</pallas_src>

<mosaic_0001>
#map = affine_map<(d0, d1) -> (0, 0)>
#map1 = affine_map<(d0, d1) -> (0)>
module attributes {stable_mosaic.version = 14 : i64} {
  func.func @gather_np(%arg0: i32, %arg1: i32, %arg2: memref<16384x128xf32, #tpu.memory_space<hbm>>, %arg3: memref<4096xi32, #tpu.memory_space<hbm>>, %arg4: memref<4096x128xf32, #tpu.memory_space<hbm>>, %arg5: memref<128xi32, #tpu.memory_space<vmem>>, %arg6: memref<128x128xf32, #tpu.memory_space<vmem>>, %arg7: memref<!tpu.dma_semaphore, #tpu.memory_space<semaphore_mem>>) attributes {dimension_semantics = [#tpu.dimension_semantics<core_parallel>, #tpu.dimension_semantics<subcore_parallel>], iteration_bounds = array<i64: 2, 16>, scalar_prefetch = 0 : i64, scratch_operands = 3 : i64, tpu.core_type = #tpu.core_type<sc_vector_subcore>, window_params = [{transform_indices = #map}, {transform_indices = #map1}, {transform_indices = #map}]} {
    %mul3A = arith.constant 2 : i32
    %mul3A_0 = arith.muli %arg1, %mul3A : i32
    %add3A = arith.addi %mul3A_0, %arg0 : i32
    %mul3A_1 = arith.constant 128 : i32
    %mul3A_2 = arith.muli %add3A, %mul3A_1 : i32
    "tpu.region"() ({
      %run_scoped3A = tpu.sem_alloc : memref<!tpu.dma_semaphore, #tpu.memory_space<semaphore_mem>>
      %dma_start3A_7 = tpu.memref_slice %arg3[%mul3A_2] : memref<4096xi32, #tpu.memory_space<hbm>> -> memref<128xi32, #tpu.memory_space<hbm>>
      %dma_start3A_8 = tpu.memref_slice %arg3[%mul3A_2] : memref<4096xi32, #tpu.memory_space<hbm>> -> memref<128xi32, #tpu.memory_space<hbm>>
      tpu.enqueue_dma source(%dma_start3A_8 : memref<128xi32, #tpu.memory_space<hbm>>) target(%arg5 : memref<128xi32, #tpu.memory_space<vmem>>) target_semaphore(%run_scoped3A : memref<!tpu.dma_semaphore, #tpu.memory_space<semaphore_mem>>)
      %dma_wait3A_9 = tpu.memref_slice %arg3[%mul3A_2] : memref<4096xi32, #tpu.memory_space<hbm>> -> memref<128xi32, #tpu.memory_space<hbm>>
      %dma_wait3A_10 = tpu.memref_slice %arg3[%mul3A_2] : memref<4096xi32, #tpu.memory_space<hbm>> -> memref<128xi32, #tpu.memory_space<hbm>>
      tpu.wait_dma2 semaphore(%run_scoped3A : memref<!tpu.dma_semaphore, #tpu.memory_space<semaphore_mem>>) src(%dma_wait3A_10 : memref<128xi32, #tpu.memory_space<hbm>>) dst(%arg5 : memref<128xi32, #tpu.memory_space<vmem>>)
      tpu.yield
    }) : () -> ()
    %dma_start3A = arith.constant 0 : i32
    %dma_start3A_3 = arith.constant 0 : i32
    %dma_start3A_4 = tpu.memref_slice %arg2[%dma_start3A, %dma_start3A_3] : memref<16384x128xf32, #tpu.memory_space<hbm>> -> memref<16384x128xf32, #tpu.memory_space<hbm>>
    tpu.enqueue_indirect_dma source(%dma_start3A_4 : memref<16384x128xf32, #tpu.memory_space<hbm>>) target(%arg6 : memref<128x128xf32, #tpu.memory_space<vmem>>) offsets(%arg5 : memref<128xi32, #tpu.memory_space<vmem>>) semaphore(%arg7 : memref<!tpu.dma_semaphore, #tpu.memory_space<semaphore_mem>>)
    %dma_wait3A = arith.constant 0 : i32
    %dma_wait3A_5 = arith.constant 0 : i32
    %dma_wait3A_6 = tpu.memref_slice %arg2[%dma_wait3A, %dma_wait3A_5] : memref<16384x128xf32, #tpu.memory_space<hbm>> -> memref<16384x128xf32, #tpu.memory_space<hbm>>
    tpu.wait_indirect_dma semaphore(%arg7 : memref<!tpu.dma_semaphore, #tpu.memory_space<semaphore_mem>>) src(%dma_wait3A_6 : memref<16384x128xf32, #tpu.memory_space<hbm>>) dst(%arg6 : memref<128x128xf32, #tpu.memory_space<vmem>>)
    "tpu.region"() ({
      %run_scoped3A = tpu.sem_alloc : memref<!tpu.dma_semaphore, #tpu.memory_space<semaphore_mem>>
      %dma_start3A_7 = arith.constant 0 : i32
      %dma_start3A_8 = tpu.memref_slice %arg4[%mul3A_2, %dma_start3A_7] : memref<4096x128xf32, #tpu.memory_space<hbm>> -> memref<128x128xf32, #tpu.memory_space<hbm>>
      %dma_start3A_9 = arith.constant 0 : i32
      %dma_start3A_10 = tpu.memref_slice %arg4[%mul3A_2, %dma_start3A_9] : memref<4096x128xf32, #tpu.memory_space<hbm>> -> memref<128x128xf32, #tpu.memory_space<hbm>>
      tpu.enqueue_dma source(%arg6 : memref<128x128xf32, #tpu.memory_space<vmem>>) target(%dma_start3A_10 : memref<128x128xf32, #tpu.memory_space<hbm>>) target_semaphore(%run_scoped3A : memref<!tpu.dma_semaphore, #tpu.memory_space<semaphore_mem>>)
      %dma_wait3A_11 = arith.constant 0 : i32
      %dma_wait3A_12 = tpu.memref_slice %arg4[%mul3A_2, %dma_wait3A_11] : memref<4096x128xf32, #tpu.memory_space<hbm>> -> memref<128x128xf32, #tpu.memory_space<hbm>>
      %dma_wait3A_13 = arith.constant 0 : i32
      %dma_wait3A_14 = tpu.memref_slice %arg4[%mul3A_2, %dma_wait3A_13] : memref<4096x128xf32, #tpu.memory_space<hbm>> -> memref<128x128xf32, #tpu.memory_space<hbm>>
      tpu.wait_dma2 semaphore(%run_scoped3A : memref<!tpu.dma_semaphore, #tpu.memory_space<semaphore_mem>>) src(%arg6 : memref<128x128xf32, #tpu.memory_space<vmem>>) dst(%dma_wait3A_14 : memref<128x128xf32, #tpu.memory_space<hbm>>)
      tpu.yield
    }) : () -> ()
    return
  }
}

#map = affine_map<(d0, d1) -> (0, 0)>
#map1 = affine_map<(d0, d1) -> (0)>
module attributes {stable_mosaic.version = 14 : i64} {
  func.func @gather_rows(%arg0: i32, %arg1: i32, %arg2: memref<16384x256xf32, #tpu.memory_space<hbm>>, %arg3: memref<131072xi32, #tpu.memory_space<hbm>>, %arg4: memref<131072x256xf32, #tpu.memory_space<hbm>>, %arg5: memref<128xi32, #tpu.memory_space<vmem>>, %arg6: memref<128x256xf32, #tpu.memory_space<vmem>>, %arg7: memref<!tpu.dma_semaphore, #tpu.memory_space<semaphore_mem>>) attributes {dimension_semantics = [#tpu.dimension_semantics<core_parallel>, #tpu.dimension_semantics<subcore_parallel>], iteration_bounds = array<i64: 2, 16>, scalar_prefetch = 0 : i64, scratch_operands = 3 : i64, tpu.core_type = #tpu.core_type<sc_vector_subcore>, window_params = [{transform_indices = #map}, {transform_indices = #map1}, {transform_indices = #map}]} {
    %mul3A = arith.constant 2 : i32
    %mul3A_0 = arith.muli %arg1, %mul3A : i32
    %add3A = arith.addi %mul3A_0, %arg0 : i32
    %mul3A_1 = arith.constant 4096 : i32
    %mul3A_2 = arith.muli %add3A, %mul3A_1 : i32
    %scan3A = arith.constant 0 : i32
    %scan3A_3 = arith.constant 0 : i32
    %scan3A_4 = arith.constant 32 : i32
    %scan3A_5 = arith.addi %scan3A_3, %scan3A_4 : i32
    %scan3A_6 = arith.constant 1 : i32
    scf.for %scan3A_8 = %scan3A_3 to %scan3A_5 step %scan3A_6  : i32 {
      %mul3A_9 = arith.constant 128 : i32
      %mul3A_10 = arith.muli %scan3A_8, %mul3A_9 : i32
      %add3A_11 = arith.addi %mul3A_2, %mul3A_10 : i32
      "tpu.region"() ({
        %run_scoped3A = tpu.sem_alloc : memref<!tpu.dma_semaphore, #tpu.memory_space<semaphore_mem>>
        %dma_start3A_16 = tpu.memref_slice %arg3[%add3A_11] : memref<131072xi32, #tpu.memory_space<hbm>> -> memref<128xi32, #tpu.memory_space<hbm>>
        %dma_start3A_17 = tpu.memref_slice %arg3[%add3A_11] : memref<131072xi32, #tpu.memory_space<hbm>> -> memref<128xi32, #tpu.memory_space<hbm>>
        tpu.enqueue_dma source(%dma_start3A_17 : memref<128xi32, #tpu.memory_space<hbm>>) target(%arg5 : memref<128xi32, #tpu.memory_space<vmem>>) target_semaphore(%run_scoped3A : memref<!tpu.dma_semaphore, #tpu.memory_space<semaphore_mem>>)
        %dma_wait3A_18 = tpu.memref_slice %arg3[%add3A_11] : memref<131072xi32, #tpu.memory_space<hbm>> -> memref<128xi32, #tpu.memory_space<hbm>>
        %dma_wait3A_19 = tpu.memref_slice %arg3[%add3A_11] : memref<131072xi32, #tpu.memory_space<hbm>> -> memref<128xi32, #tpu.memory_space<hbm>>
        tpu.wait_dma2 semaphore(%run_scoped3A : memref<!tpu.dma_semaphore, #tpu.memory_space<semaphore_mem>>) src(%dma_wait3A_19 : memref<128xi32, #tpu.memory_space<hbm>>) dst(%arg5 : memref<128xi32, #tpu.memory_space<vmem>>)
        tpu.yield
      }) : () -> ()
      %dma_start3A = arith.constant 0 : i32
      %dma_start3A_12 = arith.constant 0 : i32
      %dma_start3A_13 = tpu.memref_slice %arg2[%dma_start3A, %dma_start3A_12] : memref<16384x256xf32, #tpu.memory_space<hbm>> -> memref<16384x256xf32, #tpu.memory_space<hbm>>
      tpu.enqueue_indirect_dma source(%dma_start3A_13 : memref<16384x256xf32, #tpu.memory_space<hbm>>) target(%arg6 : memref<128x256xf32, #tpu.memory_space<vmem>>) offsets(%arg5 : memref<128xi32, #tpu.memory_space<vmem>>) semaphore(%arg7 : memref<!tpu.dma_semaphore, #tpu.memory_space<semaphore_mem>>)
      %dma_wait3A = arith.constant 0 : i32
      %dma_wait3A_14 = arith.constant 0 : i32
      %dma_wait3A_15 = tpu.memref_slice %arg2[%dma_wait3A, %dma_wait3A_14] : memref<16384x256xf32, #tpu.memory_space<hbm>> -> memref<16384x256xf32, #tpu.memory_space<hbm>>
      tpu.wait_indirect_dma semaphore(%arg7 : memref<!tpu.dma_semaphore, #tpu.memory_space<semaphore_mem>>) src(%dma_wait3A_15 : memref<16384x256xf32, #tpu.memory_space<hbm>>) dst(%arg6 : memref<128x256xf32, #tpu.memory_space<vmem>>)
      "tpu.region"() ({
        %run_scoped3A = tpu.sem_alloc : memref<!tpu.dma_semaphore, #tpu.memory_space<semaphore_mem>>
        %dma_start3A_16 = arith.constant 0 : i32
        %dma_start3A_17 = tpu.memref_slice %arg4[%add3A_11, %dma_start3A_16] : memref<131072x256xf32, #tpu.memory_space<hbm>> -> memref<128x256xf32, #tpu.memory_space<hbm>>
        %dma_start3A_18 = arith.constant 0 : i32
        %dma_start3A_19 = tpu.memref_slice %arg4[%add3A_11, %dma_start3A_18] : memref<131072x256xf32, #tpu.memory_space<hbm>> -> memref<128x256xf32, #tpu.memory_space<hbm>>
        tpu.enqueue_dma source(%arg6 : memref<128x256xf32, #tpu.memory_space<vmem>>) target(%dma_start3A_19 : memref<128x256xf32, #tpu.memory_space<hbm>>) target_semaphore(%run_scoped3A : memref<!tpu.dma_semaphore, #tpu.memory_space<semaphore_mem>>)
        %dma_wait3A_20 = arith.constant 0 : i32
        %dma_wait3A_21 = tpu.memref_slice %arg4[%add3A_11, %dma_wait3A_20] : memref<131072x256xf32, #tpu.memory_space<hbm>> -> memref<128x256xf32, #tpu.memory_space<hbm>>
        %dma_wait3A_22 = arith.constant 0 : i32
        %dma_wait3A_23 = tpu.memref_slice %arg4[%add3A_11, %dma_wait3A_22] : memref<131072x256xf32, #tpu.memory_space<hbm>> -> memref<128x256xf32, #tpu.memory_space<hbm>>
        tpu.wait_dma2 semaphore(%run_scoped3A : memref<!tpu.dma_semaphore, #tpu.memory_space<semaphore_mem>>) src(%arg6 : memref<128x256xf32, #tpu.memory_space<vmem>>) dst(%dma_wait3A_23 : memref<128x256xf32, #tpu.memory_space<hbm>>)
        tpu.yield
      }) : () -> ()
    }
    %scan3A_7 = arith.constant 32 : i32
    return
  }
}

#map = affine_map<(d0, d1) -> (0, 0)>
#map1 = affine_map<(d0, d1) -> (0)>
module attributes {stable_mosaic.version = 14 : i64} {
  func.func @gather_rows(%arg0: i32, %arg1: i32, %arg2: memref<16384x128xf32, #tpu.memory_space<hbm>>, %arg3: memref<131072xi32, #tpu.memory_space<hbm>>, %arg4: memref<131072x128xf32, #tpu.memory_space<hbm>>, %arg5: memref<128xi32, #tpu.memory_space<vmem>>, %arg6: memref<128x128xf32, #tpu.memory_space<vmem>>, %arg7: memref<!tpu.dma_semaphore, #tpu.memory_space<semaphore_mem>>) attributes {dimension_semantics = [#tpu.dimension_semantics<core_parallel>, #tpu.dimension_semantics<subcore_parallel>], iteration_bounds = array<i64: 2, 16>, scalar_prefetch = 0 : i64, scratch_operands = 3 : i64, tpu.core_type = #tpu.core_type<sc_vector_subcore>, window_params = [{transform_indices = #map}, {transform_indices = #map1}, {transform_indices = #map}]} {
    %mul3A = arith.constant 2 : i32
    %mul3A_0 = arith.muli %arg1, %mul3A : i32
    %add3A = arith.addi %mul3A_0, %arg0 : i32
    %mul3A_1 = arith.constant 4096 : i32
    %mul3A_2 = arith.muli %add3A, %mul3A_1 : i32
    %scan3A = arith.constant 0 : i32
    %scan3A_3 = arith.constant 0 : i32
    %scan3A_4 = arith.constant 32 : i32
    %scan3A_5 = arith.addi %scan3A_3, %scan3A_4 : i32
    %scan3A_6 = arith.constant 1 : i32
    scf.for %scan3A_8 = %scan3A_3 to %scan3A_5 step %scan3A_6  : i32 {
      %mul3A_9 = arith.constant 128 : i32
      %mul3A_10 = arith.muli %scan3A_8, %mul3A_9 : i32
      %add3A_11 = arith.addi %mul3A_2, %mul3A_10 : i32
      "tpu.region"() ({
        %run_scoped3A = tpu.sem_alloc : memref<!tpu.dma_semaphore, #tpu.memory_space<semaphore_mem>>
        %dma_start3A_16 = tpu.memref_slice %arg3[%add3A_11] : memref<131072xi32, #tpu.memory_space<hbm>> -> memref<128xi32, #tpu.memory_space<hbm>>
        %dma_start3A_17 = tpu.memref_slice %arg3[%add3A_11] : memref<131072xi32, #tpu.memory_space<hbm>> -> memref<128xi32, #tpu.memory_space<hbm>>
        tpu.enqueue_dma source(%dma_start3A_17 : memref<128xi32, #tpu.memory_space<hbm>>) target(%arg5 : memref<128xi32, #tpu.memory_space<vmem>>) target_semaphore(%run_scoped3A : memref<!tpu.dma_semaphore, #tpu.memory_space<semaphore_mem>>)
        %dma_wait3A_18 = tpu.memref_slice %arg3[%add3A_11] : memref<131072xi32, #tpu.memory_space<hbm>> -> memref<128xi32, #tpu.memory_space<hbm>>
        %dma_wait3A_19 = tpu.memref_slice %arg3[%add3A_11] : memref<131072xi32, #tpu.memory_space<hbm>> -> memref<128xi32, #tpu.memory_space<hbm>>
        tpu.wait_dma2 semaphore(%run_scoped3A : memref<!tpu.dma_semaphore, #tpu.memory_space<semaphore_mem>>) src(%dma_wait3A_19 : memref<128xi32, #tpu.memory_space<hbm>>) dst(%arg5 : memref<128xi32, #tpu.memory_space<vmem>>)
        tpu.yield
      }) : () -> ()
      %dma_start3A = arith.constant 0 : i32
      %dma_start3A_12 = arith.constant 0 : i32
      %dma_start3A_13 = tpu.memref_slice %arg2[%dma_start3A, %dma_start3A_12] : memref<16384x128xf32, #tpu.memory_space<hbm>> -> memref<16384x128xf32, #tpu.memory_space<hbm>>
      tpu.enqueue_indirect_dma source(%dma_start3A_13 : memref<16384x128xf32, #tpu.memory_space<hbm>>) target(%arg6 : memref<128x128xf32, #tpu.memory_space<vmem>>) offsets(%arg5 : memref<128xi32, #tpu.memory_space<vmem>>) semaphore(%arg7 : memref<!tpu.dma_semaphore, #tpu.memory_space<semaphore_mem>>)
      %dma_wait3A = arith.constant 0 : i32
      %dma_wait3A_14 = arith.constant 0 : i32
      %dma_wait3A_15 = tpu.memref_slice %arg2[%dma_wait3A, %dma_wait3A_14] : memref<16384x128xf32, #tpu.memory_space<hbm>> -> memref<16384x128xf32, #tpu.memory_space<hbm>>
      tpu.wait_indirect_dma semaphore(%arg7 : memref<!tpu.dma_semaphore, #tpu.memory_space<semaphore_mem>>) src(%dma_wait3A_15 : memref<16384x128xf32, #tpu.memory_space<hbm>>) dst(%arg6 : memref<128x128xf32, #tpu.memory_space<vmem>>)
      "tpu.region"() ({
        %run_scoped3A = tpu.sem_alloc : memref<!tpu.dma_semaphore, #tpu.memory_space<semaphore_mem>>
        %dma_start3A_16 = arith.constant 0 : i32
        %dma_start3A_17 = tpu.memref_slice %arg4[%add3A_11, %dma_start3A_16] : memref<131072x128xf32, #tpu.memory_space<hbm>> -> memref<128x128xf32, #tpu.memory_space<hbm>>
        %dma_start3A_18 = arith.constant 0 : i32
        %dma_start3A_19 = tpu.memref_slice %arg4[%add3A_11, %dma_start3A_18] : memref<131072x128xf32, #tpu.memory_space<hbm>> -> memref<128x128xf32, #tpu.memory_space<hbm>>
        tpu.enqueue_dma source(%arg6 : memref<128x128xf32, #tpu.memory_space<vmem>>) target(%dma_start3A_19 : memref<128x128xf32, #tpu.memory_space<hbm>>) target_semaphore(%run_scoped3A : memref<!tpu.dma_semaphore, #tpu.memory_space<semaphore_mem>>)
        %dma_wait3A_20 = arith.constant 0 : i32
        %dma_wait3A_21 = tpu.memref_slice %arg4[%add3A_11, %dma_wait3A_20] : memref<131072x128xf32, #tpu.memory_space<hbm>> -> memref<128x128xf32, #tpu.memory_space<hbm>>
        %dma_wait3A_22 = arith.constant 0 : i32
        %dma_wait3A_23 = tpu.memref_slice %arg4[%add3A_11, %dma_wait3A_22] : memref<131072x128xf32, #tpu.memory_space<hbm>> -> memref<128x128xf32, #tpu.memory_space<hbm>>
        tpu.wait_dma2 semaphore(%run_scoped3A : memref<!tpu.dma_semaphore, #tpu.memory_space<semaphore_mem>>) src(%arg6 : memref<128x128xf32, #tpu.memory_space<vmem>>) dst(%dma_wait3A_23 : memref<128x128xf32, #tpu.memory_space<hbm>>)
        tpu.yield
      }) : () -> ()
    }
    %scan3A_7 = arith.constant 32 : i32
    return
  }
}

module attributes {stable_mosaic.version = 14 : i64} {
  func.func @_k_ball(%arg0: i32, %arg1: i32, %arg2: memref<1x8x8192xf32, #tpu.memory_space<vmem>>, %arg3: memref<256x128xf32, #tpu.memory_space<vmem>>, %arg4: memref<256x32xi32, #tpu.memory_space<vmem>>) attributes {dimension_semantics = [#tpu.dimension_semantics<arbitrary>, #tpu.dimension_semantics<arbitrary>], iteration_bounds = array<i64: 2, 8>, scalar_prefetch = 0 : i64, scratch_operands = 0 : i64, tpu.core_type = #tpu.core_type<tc>, window_params = [{transform_indices = @transform_0, window_bounds = array<i64: 1, 8, 8192>}, {transform_indices = @transform_1, window_bounds = array<i64: 256, 128>}, {transform_indices = @transform_2, window_bounds = array<i64: 256, 32>}]} {
    %get3A = arith.constant 0 : index
    %get3A_0 = arith.constant 0 : index
    %get3A_1 = arith.constant 0 : index
    %get3A_2 = vector.load %arg2[%get3A, %get3A_0, %get3A_1] : memref<1x8x8192xf32, #tpu.memory_space<vmem>>, vector<1x8x8192xf32>
    %get3A_3 = vector.shape_cast %get3A_2 : vector<1x8x8192xf32> to vector<8x8192xf32>
    %get3A_4 = arith.constant 0 : index
    %get3A_5 = arith.constant 0 : index
    %get3A_6 = vector.load %arg3[%get3A_4, %get3A_5] : memref<256x128xf32, #tpu.memory_space<vmem>>, vector<256x1xf32>
    %slice3A = vector.extract_strided_slice %get3A_3 {offsets = [0, 0], sizes = [1, 8192], strides = [1, 1]} : vector<8x8192xf32> to vector<1x8192xf32>
    %sub3A = vector.broadcast %get3A_6 : vector<256x1xf32> to vector<256x8192xf32>
    %sub3A_7 = vector.broadcast %slice3A : vector<1x8192xf32> to vector<256x8192xf32>
    %sub3A_8 = arith.subf %sub3A, %sub3A_7 : vector<256x8192xf32>
    %mul3A = arith.mulf %sub3A_8, %sub3A_8 : vector<256x8192xf32>
    %get3A_9 = arith.constant 0 : index
    %get3A_10 = arith.constant 1 : index
    %get3A_11 = vector.load %arg3[%get3A_9, %get3A_10] : memref<256x128xf32, #tpu.memory_space<vmem>>, vector<256x1xf32>
    %slice3A_12 = vector.extract_strided_slice %get3A_3 {offsets = [1, 0], sizes = [1, 8192], strides = [1, 1]} : vector<8x8192xf32> to vector<1x8192xf32>
    %sub3A_13 = vector.broadcast %get3A_11 : vector<256x1xf32> to vector<256x8192xf32>
    %sub3A_14 = vector.broadcast %slice3A_12 : vector<1x8192xf32> to vector<256x8192xf32>
    %sub3A_15 = arith.subf %sub3A_13, %sub3A_14 : vector<256x8192xf32>
    %mul3A_16 = arith.mulf %sub3A_15, %sub3A_15 : vector<256x8192xf32>
    %add3A = arith.addf %mul3A, %mul3A_16 : vector<256x8192xf32>
    %get3A_17 = arith.constant 0 : index
    %get3A_18 = arith.constant 2 : index
    %get3A_19 = vector.load %arg3[%get3A_17, %get3A_18] : memref<256x128xf32, #tpu.memory_space<vmem>>, vector<256x1xf32>
    %slice3A_20 = vector.extract_strided_slice %get3A_3 {offsets = [2, 0], sizes = [1, 8192], strides = [1, 1]} : vector<8x8192xf32> to vector<1x8192xf32>
    %sub3A_21 = vector.broadcast %get3A_19 : vector<256x1xf32> to vector<256x8192xf32>
    %sub3A_22 = vector.broadcast %slice3A_20 : vector<1x8192xf32> to vector<256x8192xf32>
    %sub3A_23 = arith.subf %sub3A_21, %sub3A_22 : vector<256x8192xf32>
    %mul3A_24 = arith.mulf %sub3A_23, %sub3A_23 : vector<256x8192xf32>
    %add3A_25 = arith.addf %add3A, %mul3A_24 : vector<256x8192xf32>
    %le3A = arith.constant 0.00999999977 : f32
    %le3A_26 = vector.broadcast %le3A : f32 to vector<256x8192xf32>
    %le3A_27 = arith.cmpf ole, %add3A_25, %le3A_26 : vector<256x8192xf32>
    %jit3A = arith.constant 1.000000e+00 : f32
    %jit3A_28 = arith.constant 0.000000e+00 : f32
    %broadcast_in_dim3A = vector.broadcast %jit3A : f32 to vector<256x8192xf32>
    %broadcast_in_dim3A_29 = vector.broadcast %jit3A_28 : f32 to vector<256x8192xf32>
    %select_n3A = arith.select %le3A_27, %broadcast_in_dim3A, %broadcast_in_dim3A_29 : vector<256x8192xi1>, vector<256x8192xf32>
    %broadcast_in_dim3A_30 = arith.constant 0.000000e+00 : f32
    %broadcast_in_dim3A_31 = vector.broadcast %broadcast_in_dim3A_30 : f32 to vector<256x1xf32>
    %slice3A_32 = vector.extract_strided_slice %select_n3A {offsets = [0, 0], sizes = [256, 8191], strides = [1, 1]} : vector<256x8192xf32> to vector<256x8191xf32>
    %concatenate3A = tpu.concatenate %broadcast_in_dim3A_31, %slice3A_32 in 1 : vector<256x1xf32>, vector<256x8191xf32> -> vector<256x8192xf32>
    %add3A_33 = arith.addf %select_n3A, %concatenate3A : vector<256x8192xf32>
    %broadcast_in_dim3A_34 = arith.constant 0.000000e+00 : f32
    %broadcast_in_dim3A_35 = vector.broadcast %broadcast_in_dim3A_34 : f32 to vector<256x2xf32>
    %slice3A_36 = vector.extract_strided_slice %add3A_33 {offsets = [0, 0], sizes = [256, 8190], strides = [1, 1]} : vector<256x8192xf32> to vector<256x8190xf32>
    %concatenate3A_37 = tpu.concatenate %broadcast_in_dim3A_35, %slice3A_36 in 1 : vector<256x2xf32>, vector<256x8190xf32> -> vector<256x8192xf32>
    %add3A_38 = arith.addf %add3A_33, %concatenate3A_37 : vector<256x8192xf32>
    %broadcast_in_dim3A_39 = arith.constant 0.000000e+00 : f32
    %broadcast_in_dim3A_40 = vector.broadcast %broadcast_in_dim3A_39 : f32 to vector<256x4xf32>
    %slice3A_41 = vector.extract_strided_slice %add3A_38 {offsets = [0, 0], sizes = [256, 8188], strides = [1, 1]} : vector<256x8192xf32> to vector<256x8188xf32>
    %concatenate3A_42 = tpu.concatenate %broadcast_in_dim3A_40, %slice3A_41 in 1 : vector<256x4xf32>, vector<256x8188xf32> -> vector<256x8192xf32>
    %add3A_43 = arith.addf %add3A_38, %concatenate3A_42 : vector<256x8192xf32>
    %broadcast_in_dim3A_44 = arith.constant 0.000000e+00 : f32
    %broadcast_in_dim3A_45 = vector.broadcast %broadcast_in_dim3A_44 : f32 to vector<256x8xf32>
    %slice3A_46 = vector.extract_strided_slice %add3A_43 {offsets = [0, 0], sizes = [256, 8184], strides = [1, 1]} : vector<256x8192xf32> to vector<256x8184xf32>
    %concatenate3A_47 = tpu.concatenate %broadcast_in_dim3A_45, %slice3A_46 in 1 : vector<256x8xf32>, vector<256x8184xf32> -> vector<256x8192xf32>
    %add3A_48 = arith.addf %add3A_43, %concatenate3A_47 : vector<256x8192xf32>
    %broadcast_in_dim3A_49 = arith.constant 0.000000e+00 : f32
    %broadcast_in_dim3A_50 = vector.broadcast %broadcast_in_dim3A_49 : f32 to vector<256x16xf32>
    %slice3A_51 = vector.extract_strided_slice %add3A_48 {offsets = [0, 0], sizes = [256, 8176], strides = [1, 1]} : vector<256x8192xf32> to vector<256x8176xf32>
    %concatenate3A_52 = tpu.concatenate %broadcast_in_dim3A_50, %slice3A_51 in 1 : vector<256x16xf32>, vector<256x8176xf32> -> vector<256x8192xf32>
    %add3A_53 = arith.addf %add3A_48, %concatenate3A_52 : vector<256x8192xf32>
    %broadcast_in_dim3A_54 = arith.constant 0.000000e+00 : f32
    %broadcast_in_dim3A_55 = vector.broadcast %broadcast_in_dim3A_54 : f32 to vector<256x32xf32>
    %slice3A_56 = vector.extract_strided_slice %add3A_53 {offsets = [0, 0], sizes = [256, 8160], strides = [1, 1]} : vector<256x8192xf32> to vector<256x8160xf32>
    %concatenate3A_57 = tpu.concatenate %broadcast_in_dim3A_55, %slice3A_56 in 1 : vector<256x32xf32>, vector<256x8160xf32> -> vector<256x8192xf32>
    %add3A_58 = arith.addf %add3A_53, %concatenate3A_57 : vector<256x8192xf32>
    %broadcast_in_dim3A_59 = arith.constant 0.000000e+00 : f32
    %broadcast_in_dim3A_60 = vector.broadcast %broadcast_in_dim3A_59 : f32 to vector<256x64xf32>
    %slice3A_61 = vector.extract_strided_slice %add3A_58 {offsets = [0, 0], sizes = [256, 8128], strides = [1, 1]} : vector<256x8192xf32> to vector<256x8128xf32>
    %concatenate3A_62 = tpu.concatenate %broadcast_in_dim3A_60, %slice3A_61 in 1 : vector<256x64xf32>, vector<256x8128xf32> -> vector<256x8192xf32>
    %add3A_63 = arith.addf %add3A_58, %concatenate3A_62 : vector<256x8192xf32>
    %broadcast_in_dim3A_64 = arith.constant 0.000000e+00 : f32
    %broadcast_in_dim3A_65 = vector.broadcast %broadcast_in_dim3A_64 : f32 to vector<256x128xf32>
    %slice3A_66 = vector.extract_strided_slice %add3A_63 {offsets = [0, 0], sizes = [256, 8064], strides = [1, 1]} : vector<256x8192xf32> to vector<256x8064xf32>
    %concatenate3A_67 = tpu.concatenate %broadcast_in_dim3A_65, %slice3A_66 in 1 : vector<256x128xf32>, vector<256x8064xf32> -> vector<256x8192xf32>
    %add3A_68 = arith.addf %add3A_63, %concatenate3A_67 : vector<256x8192xf32>
    %broadcast_in_dim3A_69 = arith.constant 0.000000e+00 : f32
    %broadcast_in_dim3A_70 = vector.broadcast %broadcast_in_dim3A_69 : f32 to vector<256x256xf32>
    %slice3A_71 = vector.extract_strided_slice %add3A_68 {offsets = [0, 0], sizes = [256, 7936], strides = [1, 1]} : vector<256x8192xf32> to vector<256x7936xf32>
    %concatenate3A_72 = tpu.concatenate %broadcast_in_dim3A_70, %slice3A_71 in 1 : vector<256x256xf32>, vector<256x7936xf32> -> vector<256x8192xf32>
    %add3A_73 = arith.addf %add3A_68, %concatenate3A_72 : vector<256x8192xf32>
    %broadcast_in_dim3A_74 = arith.constant 0.000000e+00 : f32
    %broadcast_in_dim3A_75 = vector.broadcast %broadcast_in_dim3A_74 : f32 to vector<256x512xf32>
    %slice3A_76 = vector.extract_strided_slice %add3A_73 {offsets = [0, 0], sizes = [256, 7680], strides = [1, 1]} : vector<256x8192xf32> to vector<256x7680xf32>
    %concatenate3A_77 = tpu.concatenate %broadcast_in_dim3A_75, %slice3A_76 in 1 : vector<256x512xf32>, vector<256x7680xf32> -> vector<256x8192xf32>
    %add3A_78 = arith.addf %add3A_73, %concatenate3A_77 : vector<256x8192xf32>
    %broadcast_in_dim3A_79 = arith.constant 0.000000e+00 : f32
    %broadcast_in_dim3A_80 = vector.broadcast %broadcast_in_dim3A_79 : f32 to vector<256x1024xf32>
    %slice3A_81 = vector.extract_strided_slice %add3A_78 {offsets = [0, 0], sizes = [256, 7168], strides = [1, 1]} : vector<256x8192xf32> to vector<256x7168xf32>
    %concatenate3A_82 = tpu.concatenate %broadcast_in_dim3A_80, %slice3A_81 in 1 : vector<256x1024xf32>, vector<256x7168xf32> -> vector<256x8192xf32>
    %add3A_83 = arith.addf %add3A_78, %concatenate3A_82 : vector<256x8192xf32>
    %broadcast_in_dim3A_84 = arith.constant 0.000000e+00 : f32
    %broadcast_in_dim3A_85 = vector.broadcast %broadcast_in_dim3A_84 : f32 to vector<256x2048xf32>
    %slice3A_86 = vector.extract_strided_slice %add3A_83 {offsets = [0, 0], sizes = [256, 6144], strides = [1, 1]} : vector<256x8192xf32> to vector<256x6144xf32>
    %concatenate3A_87 = tpu.concatenate %broadcast_in_dim3A_85, %slice3A_86 in 1 : vector<256x2048xf32>, vector<256x6144xf32> -> vector<256x8192xf32>
    %add3A_88 = arith.addf %add3A_83, %concatenate3A_87 : vector<256x8192xf32>
    %broadcast_in_dim3A_89 = arith.constant 0.000000e+00 : f32
    %broadcast_in_dim3A_90 = vector.broadcast %broadcast_in_dim3A_89 : f32 to vector<256x4096xf32>
    %slice3A_91 = vector.extract_strided_slice %add3A_88 {offsets = [0, 0], sizes = [256, 4096], strides = [1, 1]} : vector<256x8192xf32> to vector<256x4096xf32>
    %concatenate3A_92 = tpu.concatenate %broadcast_in_dim3A_90, %slice3A_91 in 1 : vector<256x4096xf32>, vector<256x4096xf32> -> vector<256x8192xf32>
    %add3A_93 = arith.addf %add3A_88, %concatenate3A_92 : vector<256x8192xf32>
    %broadcast_in_dim3A_94 = arith.constant 1.000000e+00 : f32
    %broadcast_in_dim3A_95 = vector.broadcast %broadcast_in_dim3A_94 : f32 to vector<8192x1xf32>
    %le3A_96 = arith.constant 0.000000e+00 : f32
    %le3A_97 = vector.broadcast %le3A_96 : f32 to vector<256x8192xf32>
    %le3A_98 = arith.cmpf ole, %add3A_93, %le3A_97 : vector<256x8192xf32>
    %jit3A_99 = arith.constant 1.000000e+00 : f32
    %jit3A_100 = arith.constant 0.000000e+00 : f32
    %broadcast_in_dim3A_101 = vector.broadcast %jit3A_99 : f32 to vector<256x8192xf32>
    %broadcast_in_dim3A_102 = vector.broadcast %jit3A_100 : f32 to vector<256x8192xf32>
    %select_n3A_103 = arith.select %le3A_98, %broadcast_in_dim3A_101, %broadcast_in_dim3A_102 : vector<256x8192xi1>, vector<256x8192xf32>
    %dot_general3A = arith.constant dense<0.000000e+00> : vector<256x1xf32>
    %dot_general3A_104 = tpu.matmul %select_n3A_103, %broadcast_in_dim3A_95, %dot_general3A {dimension_numbers = #tpu.dot_dimension_numbers<[1], [0], [0], [1], [0, 0, 1, 1], [], []>, transpose_lhs_hint = false} : vector<256x8192xf32>, vector<8192x1xf32>, vector<256x1xf32> -> vector<256x1xf32>
    %le3A_105 = arith.constant 1.000000e+00 : f32
    %le3A_106 = vector.broadcast %le3A_105 : f32 to vector<256x8192xf32>
    %le3A_107 = arith.cmpf ole, %add3A_93, %le3A_106 : vector<256x8192xf32>
    %jit3A_108 = arith.constant 1.000000e+00 : f32
    %jit3A_109 = arith.constant 0.000000e+00 : f32
    %broadcast_in_dim3A_110 = vector.broadcast %jit3A_108 : f32 to vector<256x8192xf32>
    %broadcast_in_dim3A_111 = vector.broadcast %jit3A_109 : f32 to vector<256x8192xf32>
    %select_n3A_112 = arith.select %le3A_107, %broadcast_in_dim3A_110, %broadcast_in_dim3A_111 : vector<256x8192xi1>, vector<256x8192xf32>
    %dot_general3A_113 = arith.constant dense<0.000000e+00> : vector<256x1xf32>
    %dot_general3A_114 = tpu.matmul %select_n3A_112, %broadcast_in_dim3A_95, %dot_general3A_113 {dimension_numbers = #tpu.dot_dimension_numbers<[1], [0], [0], [1], [0, 0, 1, 1], [], []>, transpose_lhs_hint = false} : vector<256x8192xf32>, vector<8192x1xf32>, vector<256x1xf32> -> vector<256x1xf32>
    %le3A_115 = arith.constant 2.000000e+00 : f32
    %le3A_116 = vector.broadcast %le3A_115 : f32 to vector<256x8192xf32>
    %le3A_117 = arith.cmpf ole, %add3A_93, %le3A_116 : vector<256x8192xf32>
    %jit3A_118 = arith.constant 1.000000e+00 : f32
    %jit3A_119 = arith.constant 0.000000e+00 : f32
    %broadcast_in_dim3A_120 = vector.broadcast %jit3A_118 : f32 to vector<256x8192xf32>
    %broadcast_in_dim3A_121 = vector.broadcast %jit3A_119 : f32 to vector<256x8192xf32>
    %select_n3A_122 = arith.select %le3A_117, %broadcast_in_dim3A_120, %broadcast_in_dim3A_121 : vector<256x8192xi1>, vector<256x8192xf32>
    %dot_general3A_123 = arith.constant dense<0.000000e+00> : vector<256x1xf32>
    %dot_general3A_124 = tpu.matmul %select_n3A_122, %broadcast_in_dim3A_95, %dot_general3A_123 {dimension_numbers = #tpu.dot_dimension_numbers<[1], [0], [0], [1], [0, 0, 1, 1], [], []>, transpose_lhs_hint = false} : vector<256x8192xf32>, vector<8192x1xf32>, vector<256x1xf32> -> vector<256x1xf32>
    %le3A_125 = arith.constant 3.000000e+00 : f32
    %le3A_126 = vector.broadcast %le3A_125 : f32 to vector<256x8192xf32>
    %le3A_127 = arith.cmpf ole, %add3A_93, %le3A_126 : vector<256x8192xf32>
    %jit3A_128 = arith.constant 1.000000e+00 : f32
    %jit3A_129 = arith.constant 0.000000e+00 : f32
    %broadcast_in_dim3A_130 = vector.broadcast %jit3A_128 : f32 to vector<256x8192xf32>
    %broadcast_in_dim3A_131 = vector.broadcast %jit3A_129 : f32 to vector<256x8192xf32>
    %select_n3A_132 = arith.select %le3A_127, %broadcast_in_dim3A_130, %broadcast_in_dim3A_131 : vector<256x8192xi1>, vector<256x8192xf32>
    %dot_general3A_133 = arith.constant dense<0.000000e+00> : vector<256x1xf32>
    %dot_general3A_134 = tpu.matmul %select_n3A_132, %broadcast_in_dim3A_95, %dot_general3A_133 {dimension_numbers = #tpu.dot_dimension_numbers<[1], [0], [0], [1], [0, 0, 1, 1], [], []>, transpose_lhs_hint = false} : vector<256x8192xf32>, vector<8192x1xf32>, vector<256x1xf32> -> vector<256x1xf32>
    %le3A_135 = arith.constant 4.000000e+00 : f32
    %le3A_136 = vector.broadcast %le3A_135 : f32 to vector<256x8192xf32>
    %le3A_137 = arith.cmpf ole, %add3A_93, %le3A_136 : vector<256x8192xf32>
    %jit3A_138 = arith.constant 1.000000e+00 : f32
    %jit3A_139 = arith.constant 0.000000e+00 : f32
    %broadcast_in_dim3A_140 = vector.broadcast %jit3A_138 : f32 to vector<256x8192xf32>
    %broadcast_in_dim3A_141 = vector.broadcast %jit3A_139 : f32 to vector<256x8192xf32>
    %select_n3A_142 = arith.select %le3A_137, %broadcast_in_dim3A_140, %broadcast_in_dim3A_141 : vector<256x8192xi1>, vector<256x8192xf32>
    %dot_general3A_143 = arith.constant dense<0.000000e+00> : vector<256x1xf32>
    %dot_general3A_144 = tpu.matmul %select_n3A_142, %broadcast_in_dim3A_95, %dot_general3A_143 {dimension_numbers = #tpu.dot_dimension_numbers<[1], [0], [0], [1], [0, 0, 1, 1], [], []>, transpose_lhs_hint = false} : vector<256x8192xf32>, vector<8192x1xf32>, vector<256x1xf32> -> vector<256x1xf32>
    %le3A_145 = arith.constant 5.000000e+00 : f32
    %le3A_146 = vector.broadcast %le3A_145 : f32 to vector<256x8192xf32>
    %le3A_147 = arith.cmpf ole, %add3A_93, %le3A_146 : vector<256x8192xf32>
    %jit3A_148 = arith.constant 1.000000e+00 : f32
    %jit3A_149 = arith.constant 0.000000e+00 : f32
    %broadcast_in_dim3A_150 = vector.broadcast %jit3A_148 : f32 to vector<256x8192xf32>
    %broadcast_in_dim3A_151 = vector.broadcast %jit3A_149 : f32 to vector<256x8192xf32>
    %select_n3A_152 = arith.select %le3A_147, %broadcast_in_dim3A_150, %broadcast_in_dim3A_151 : vector<256x8192xi1>, vector<256x8192xf32>
    %dot_general3A_153 = arith.constant dense<0.000000e+00> : vector<256x1xf32>
    %dot_general3A_154 = tpu.matmul %select_n3A_152, %broadcast_in_dim3A_95, %dot_general3A_153 {dimension_numbers = #tpu.dot_dimension_numbers<[1], [0], [0], [1], [0, 0, 1, 1], [], []>, transpose_lhs_hint = false} : vector<256x8192xf32>, vector<8192x1xf32>, vector<256x1xf32> -> vector<256x1xf32>
    %le3A_155 = arith.constant 6.000000e+00 : f32
    %le3A_156 = vector.broadcast %le3A_155 : f32 to vector<256x8192xf32>
    %le3A_157 = arith.cmpf ole, %add3A_93, %le3A_156 : vector<256x8192xf32>
    %jit3A_158 = arith.constant 1.000000e+00 : f32
    %jit3A_159 = arith.constant 0.000000e+00 : f32
    %broadcast_in_dim3A_160 = vector.broadcast %jit3A_158 : f32 to vector<256x8192xf32>
    %broadcast_in_dim3A_161 = vector.broadcast %jit3A_159 : f32 to vector<256x8192xf32>
    %select_n3A_162 = arith.select %le3A_157, %broadcast_in_dim3A_160, %broadcast_in_dim3A_161 : vector<256x8192xi1>, vector<256x8192xf32>
    %dot_general3A_163 = arith.constant dense<0.000000e+00> : vector<256x1xf32>
    %dot_general3A_164 = tpu.matmul %select_n3A_162, %broadcast_in_dim3A_95, %dot_general3A_163 {dimension_numbers = #tpu.dot_dimension_numbers<[1], [0], [0], [1], [0, 0, 1, 1], [], []>, transpose_lhs_hint = false} : vector<256x8192xf32>, vector<8192x1xf32>, vector<256x1xf32> -> vector<256x1xf32>
    %le3A_165 = arith.constant 7.000000e+00 : f32
    %le3A_166 = vector.broadcast %le3A_165 : f32 to vector<256x8192xf32>
    %le3A_167 = arith.cmpf ole, %add3A_93, %le3A_166 : vector<256x8192xf32>
    %jit3A_168 = arith.constant 1.000000e+00 : f32
    %jit3A_169 = arith.constant 0.000000e+00 : f32
    %broadcast_in_dim3A_170 = vector.broadcast %jit3A_168 : f32 to vector<256x8192xf32>
    %broadcast_in_dim3A_171 = vector.broadcast %jit3A_169 : f32 to vector<256x8192xf32>
    %select_n3A_172 = arith.select %le3A_167, %broadcast_in_dim3A_170, %broadcast_in_dim3A_171 : vector<256x8192xi1>, vector<256x8192xf32>
    %dot_general3A_173 = arith.constant dense<0.000000e+00> : vector<256x1xf32>
    %dot_general3A_174 = tpu.matmul %select_n3A_172, %broadcast_in_dim3A_95, %dot_general3A_173 {dimension_numbers = #tpu.dot_dimension_numbers<[1], [0], [0], [1], [0, 0, 1, 1], [], []>, transpose_lhs_hint = false} : vector<256x8192xf32>, vector<8192x1xf32>, vector<256x1xf32> -> vector<256x1xf32>
    %le3A_175 = arith.constant 8.000000e+00 : f32
    %le3A_176 = vector.broadcast %le3A_175 : f32 to vector<256x8192xf32>
    %le3A_177 = arith.cmpf ole, %add3A_93, %le3A_176 : vector<256x8192xf32>
    %jit3A_178 = arith.constant 1.000000e+00 : f32
    %jit3A_179 = arith.constant 0.000000e+00 : f32
    %broadcast_in_dim3A_180 = vector.broadcast %jit3A_178 : f32 to vector<256x8192xf32>
    %broadcast_in_dim3A_181 = vector.broadcast %jit3A_179 : f32 to vector<256x8192xf32>
    %select_n3A_182 = arith.select %le3A_177, %broadcast_in_dim3A_180, %broadcast_in_dim3A_181 : vector<256x8192xi1>, vector<256x8192xf32>
    %dot_general3A_183 = arith.constant dense<0.000000e+00> : vector<256x1xf32>
    %dot_general3A_184 = tpu.matmul %select_n3A_182, %broadcast_in_dim3A_95, %dot_general3A_183 {dimension_numbers = #tpu.dot_dimension_numbers<[1], [0], [0], [1], [0, 0, 1, 1], [], []>, transpose_lhs_hint = false} : vector<256x8192xf32>, vector<8192x1xf32>, vector<256x1xf32> -> vector<256x1xf32>
    %le3A_185 = arith.constant 9.000000e+00 : f32
    %le3A_186 = vector.broadcast %le3A_185 : f32 to vector<256x8192xf32>
    %le3A_187 = arith.cmpf ole, %add3A_93, %le3A_186 : vector<256x8192xf32>
    %jit3A_188 = arith.constant 1.000000e+00 : f32
    %jit3A_189 = arith.constant 0.000000e+00 : f32
    %broadcast_in_dim3A_190 = vector.broadcast %jit3A_188 : f32 to vector<256x8192xf32>
    %broadcast_in_dim3A_191 = vector.broadcast %jit3A_189 : f32 to vector<256x8192xf32>
    %select_n3A_192 = arith.select %le3A_187, %broadcast_in_dim3A_190, %broadcast_in_dim3A_191 : vector<256x8192xi1>, vector<256x8192xf32>
    %dot_general3A_193 = arith.constant dense<0.000000e+00> : vector<256x1xf32>
    %dot_general3A_194 = tpu.matmul %select_n3A_192, %broadcast_in_dim3A_95, %dot_general3A_193 {dimension_numbers = #tpu.dot_dimension_numbers<[1], [0], [0], [1], [0, 0, 1, 1], [], []>, transpose_lhs_hint = false} : vector<256x8192xf32>, vector<8192x1xf32>, vector<256x1xf32> -> vector<256x1xf32>
    %le3A_195 = arith.constant 1.000000e+01 : f32
    %le3A_196 = vector.broadcast %le3A_195 : f32 to vector<256x8192xf32>
    %le3A_197 = arith.cmpf ole, %add3A_93, %le3A_196 : vector<256x8192xf32>
    %jit3A_198 = arith.constant 1.000000e+00 : f32
    %jit3A_199 = arith.constant 0.000000e+00 : f32
    %broadcast_in_dim3A_200 = vector.broadcast %jit3A_198 : f32 to vector<256x8192xf32>
    %broadcast_in_dim3A_201 = vector.broadcast %jit3A_199 : f32 to vector<256x8192xf32>
    %select_n3A_202 = arith.select %le3A_197, %broadcast_in_dim3A_200, %broadcast_in_dim3A_201 : vector<256x8192xi1>, vector<256x8192xf32>
    %dot_general3A_203 = arith.constant dense<0.000000e+00> : vector<256x1xf32>
    %dot_general3A_204 = tpu.matmul %select_n3A_202, %broadcast_in_dim3A_95, %dot_general3A_203 {dimension_numbers = #tpu.dot_dimension_numbers<[1], [0], [0], [1], [0, 0, 1, 1], [], []>, transpose_lhs_hint = false} : vector<256x8192xf32>, vector<8192x1xf32>, vector<256x1xf32> -> vector<256x1xf32>
    %le3A_205 = arith.constant 1.100000e+01 : f32
    %le3A_206 = vector.broadcast %le3A_205 : f32 to vector<256x8192xf32>
    %le3A_207 = arith.cmpf ole, %add3A_93, %le3A_206 : vector<256x8192xf32>
    %jit3A_208 = arith.constant 1.000000e+00 : f32
    %jit3A_209 = arith.constant 0.000000e+00 : f32
    %broadcast_in_dim3A_210 = vector.broadcast %jit3A_208 : f32 to vector<256x8192xf32>
    %broadcast_in_dim3A_211 = vector.broadcast %jit3A_209 : f32 to vector<256x8192xf32>
    %select_n3A_212 = arith.select %le3A_207, %broadcast_in_dim3A_210, %broadcast_in_dim3A_211 : vector<256x8192xi1>, vector<256x8192xf32>
    %dot_general3A_213 = arith.constant dense<0.000000e+00> : vector<256x1xf32>
    %dot_general3A_214 = tpu.matmul %select_n3A_212, %broadcast_in_dim3A_95, %dot_general3A_213 {dimension_numbers = #tpu.dot_dimension_numbers<[1], [0], [0], [1], [0, 0, 1, 1], [], []>, transpose_lhs_hint = false} : vector<256x8192xf32>, vector<8192x1xf32>, vector<256x1xf32> -> vector<256x1xf32>
    %le3A_215 = arith.constant 1.200000e+01 : f32
    %le3A_216 = vector.broadcast %le3A_215 : f32 to vector<256x8192xf32>
    %le3A_217 = arith.cmpf ole, %add3A_93, %le3A_216 : vector<256x8192xf32>
    %jit3A_218 = arith.constant 1.000000e+00 : f32
    %jit3A_219 = arith.constant 0.000000e+00 : f32
    %broadcast_in_dim3A_220 = vector.broadcast %jit3A_218 : f32 to vector<256x8192xf32>
    %broadcast_in_dim3A_221 = vector.broadcast %jit3A_219 : f32 to vector<256x8192xf32>
    %select_n3A_222 = arith.select %le3A_217, %broadcast_in_dim3A_220, %broadcast_in_dim3A_221 : vector<256x8192xi1>, vector<256x8192xf32>
    %dot_general3A_223 = arith.constant dense<0.000000e+00> : vector<256x1xf32>
    %dot_general3A_224 = tpu.matmul %select_n3A_222, %broadcast_in_dim3A_95, %dot_general3A_223 {dimension_numbers = #tpu.dot_dimension_numbers<[1], [0], [0], [1], [0, 0, 1, 1], [], []>, transpose_lhs_hint = false} : vector<256x8192xf32>, vector<8192x1xf32>, vector<256x1xf32> -> vector<256x1xf32>
    %le3A_225 = arith.constant 1.300000e+01 : f32
    %le3A_226 = vector.broadcast %le3A_225 : f32 to vector<256x8192xf32>
    %le3A_227 = arith.cmpf ole, %add3A_93, %le3A_226 : vector<256x8192xf32>
    %jit3A_228 = arith.constant 1.000000e+00 : f32
    %jit3A_229 = arith.constant 0.000000e+00 : f32
    %broadcast_in_dim3A_230 = vector.broadcast %jit3A_228 : f32 to vector<256x8192xf32>
    %broadcast_in_dim3A_231 = vector.broadcast %jit3A_229 : f32 to vector<256x8192xf32>
    %select_n3A_232 = arith.select %le3A_227, %broadcast_in_dim3A_230, %broadcast_in_dim3A_231 : vector<256x8192xi1>, vector<256x8192xf32>
    %dot_general3A_233 = arith.constant dense<0.000000e+00> : vector<256x1xf32>
    %dot_general3A_234 = tpu.matmul %select_n3A_232, %broadcast_in_dim3A_95, %dot_general3A_233 {dimension_numbers = #tpu.dot_dimension_numbers<[1], [0], [0], [1], [0, 0, 1, 1], [], []>, transpose_lhs_hint = false} : vector<256x8192xf32>, vector<8192x1xf32>, vector<256x1xf32> -> vector<256x1xf32>
    %le3A_235 = arith.constant 1.400000e+01 : f32
    %le3A_236 = vector.broadcast %le3A_235 : f32 to vector<256x8192xf32>
    %le3A_237 = arith.cmpf ole, %add3A_93, %le3A_236 : vector<256x8192xf32>
    %jit3A_238 = arith.constant 1.000000e+00 : f32
    %jit3A_239 = arith.constant 0.000000e+00 : f32
    %broadcast_in_dim3A_240 = vector.broadcast %jit3A_238 : f32 to vector<256x8192xf32>
    %broadcast_in_dim3A_241 = vector.broadcast %jit3A_239 : f32 to vector<256x8192xf32>
    %select_n3A_242 = arith.select %le3A_237, %broadcast_in_dim3A_240, %broadcast_in_dim3A_241 : vector<256x8192xi1>, vector<256x8192xf32>
    %dot_general3A_243 = arith.constant dense<0.000000e+00> : vector<256x1xf32>
    %dot_general3A_244 = tpu.matmul %select_n3A_242, %broadcast_in_dim3A_95, %dot_general3A_243 {dimension_numbers = #tpu.dot_dimension_numbers<[1], [0], [0], [1], [0, 0, 1, 1], [], []>, transpose_lhs_hint = false} : vector<256x8192xf32>, vector<8192x1xf32>, vector<256x1xf32> -> vector<256x1xf32>
    %le3A_245 = arith.constant 1.500000e+01 : f32
    %le3A_246 = vector.broadcast %le3A_245 : f32 to vector<256x8192xf32>
    %le3A_247 = arith.cmpf ole, %add3A_93, %le3A_246 : vector<256x8192xf32>
    %jit3A_248 = arith.constant 1.000000e+00 : f32
    %jit3A_249 = arith.constant 0.000000e+00 : f32
    %broadcast_in_dim3A_250 = vector.broadcast %jit3A_248 : f32 to vector<256x8192xf32>
    %broadcast_in_dim3A_251 = vector.broadcast %jit3A_249 : f32 to vector<256x8192xf32>
    %select_n3A_252 = arith.select %le3A_247, %broadcast_in_dim3A_250, %broadcast_in_dim3A_251 : vector<256x8192xi1>, vector<256x8192xf32>
    %dot_general3A_253 = arith.constant dense<0.000000e+00> : vector<256x1xf32>
    %dot_general3A_254 = tpu.matmul %select_n3A_252, %broadcast_in_dim3A_95, %dot_general3A_253 {dimension_numbers = #tpu.dot_dimension_numbers<[1], [0], [0], [1], [0, 0, 1, 1], [], []>, transpose_lhs_hint = false} : vector<256x8192xf32>, vector<8192x1xf32>, vector<256x1xf32> -> vector<256x1xf32>
    %le3A_255 = arith.constant 1.600000e+01 : f32
    %le3A_256 = vector.broadcast %le3A_255 : f32 to vector<256x8192xf32>
    %le3A_257 = arith.cmpf ole, %add3A_93, %le3A_256 : vector<256x8192xf32>
    %jit3A_258 = arith.constant 1.000000e+00 : f32
    %jit3A_259 = arith.constant 0.000000e+00 : f32
    %broadcast_in_dim3A_260 = vector.broadcast %jit3A_258 : f32 to vector<256x8192xf32>
    %broadcast_in_dim3A_261 = vector.broadcast %jit3A_259 : f32 to vector<256x8192xf32>
    %select_n3A_262 = arith.select %le3A_257, %broadcast_in_dim3A_260, %broadcast_in_dim3A_261 : vector<256x8192xi1>, vector<256x8192xf32>
    %dot_general3A_263 = arith.constant dense<0.000000e+00> : vector<256x1xf32>
    %dot_general3A_264 = tpu.matmul %select_n3A_262, %broadcast_in_dim3A_95, %dot_general3A_263 {dimension_numbers = #tpu.dot_dimension_numbers<[1], [0], [0], [1], [0, 0, 1, 1], [], []>, transpose_lhs_hint = false} : vector<256x8192xf32>, vector<8192x1xf32>, vector<256x1xf32> -> vector<256x1xf32>
    %le3A_265 = arith.constant 1.700000e+01 : f32
    %le3A_266 = vector.broadcast %le3A_265 : f32 to vector<256x8192xf32>
    %le3A_267 = arith.cmpf ole, %add3A_93, %le3A_266 : vector<256x8192xf32>
    %jit3A_268 = arith.constant 1.000000e+00 : f32
    %jit3A_269 = arith.constant 0.000000e+00 : f32
    %broadcast_in_dim3A_270 = vector.broadcast %jit3A_268 : f32 to vector<256x8192xf32>
    %broadcast_in_dim3A_271 = vector.broadcast %jit3A_269 : f32 to vector<256x8192xf32>
    %select_n3A_272 = arith.select %le3A_267, %broadcast_in_dim3A_270, %broadcast_in_dim3A_271 : vector<256x8192xi1>, vector<256x8192xf32>
    %dot_general3A_273 = arith.constant dense<0.000000e+00> : vector<256x1xf32>
    %dot_general3A_274 = tpu.matmul %select_n3A_272, %broadcast_in_dim3A_95, %dot_general3A_273 {dimension_numbers = #tpu.dot_dimension_numbers<[1], [0], [0], [1], [0, 0, 1, 1], [], []>, transpose_lhs_hint = false} : vector<256x8192xf32>, vector<8192x1xf32>, vector<256x1xf32> -> vector<256x1xf32>
    %le3A_275 = arith.constant 1.800000e+01 : f32
    %le3A_276 = vector.broadcast %le3A_275 : f32 to vector<256x8192xf32>
    %le3A_277 = arith.cmpf ole, %add3A_93, %le3A_276 : vector<256x8192xf32>
    %jit3A_278 = arith.constant 1.000000e+00 : f32
    %jit3A_279 = arith.constant 0.000000e+00 : f32
    %broadcast_in_dim3A_280 = vector.broadcast %jit3A_278 : f32 to vector<256x8192xf32>
    %broadcast_in_dim3A_281 = vector.broadcast %jit3A_279 : f32 to vector<256x8192xf32>
    %select_n3A_282 = arith.select %le3A_277, %broadcast_in_dim3A_280, %broadcast_in_dim3A_281 : vector<256x8192xi1>, vector<256x8192xf32>
    %dot_general3A_283 = arith.constant dense<0.000000e+00> : vector<256x1xf32>
    %dot_general3A_284 = tpu.matmul %select_n3A_282, %broadcast_in_dim3A_95, %dot_general3A_283 {dimension_numbers = #tpu.dot_dimension_numbers<[1], [0], [0], [1], [0, 0, 1, 1], [], []>, transpose_lhs_hint = false} : vector<256x8192xf32>, vector<8192x1xf32>, vector<256x1xf32> -> vector<256x1xf32>
    %le3A_285 = arith.constant 1.900000e+01 : f32
    %le3A_286 = vector.broadcast %le3A_285 : f32 to vector<256x8192xf32>
    %le3A_287 = arith.cmpf ole, %add3A_93, %le3A_286 : vector<256x8192xf32>
    %jit3A_288 = arith.constant 1.000000e+00 : f32
    %jit3A_289 = arith.constant 0.000000e+00 : f32
    %broadcast_in_dim3A_290 = vector.broadcast %jit3A_288 : f32 to vector<256x8192xf32>
    %broadcast_in_dim3A_291 = vector.broadcast %jit3A_289 : f32 to vector<256x8192xf32>
    %select_n3A_292 = arith.select %le3A_287, %broadcast_in_dim3A_290, %broadcast_in_dim3A_291 : vector<256x8192xi1>, vector<256x8192xf32>
    %dot_general3A_293 = arith.constant dense<0.000000e+00> : vector<256x1xf32>
    %dot_general3A_294 = tpu.matmul %select_n3A_292, %broadcast_in_dim3A_95, %dot_general3A_293 {dimension_numbers = #tpu.dot_dimension_numbers<[1], [0], [0], [1], [0, 0, 1, 1], [], []>, transpose_lhs_hint = false} : vector<256x8192xf32>, vector<8192x1xf32>, vector<256x1xf32> -> vector<256x1xf32>
    %le3A_295 = arith.constant 2.000000e+01 : f32
    %le3A_296 = vector.broadcast %le3A_295 : f32 to vector<256x8192xf32>
    %le3A_297 = arith.cmpf ole, %add3A_93, %le3A_296 : vector<256x8192xf32>
    %jit3A_298 = arith.constant 1.000000e+00 : f32
    %jit3A_299 = arith.constant 0.000000e+00 : f32
    %broadcast_in_dim3A_300 = vector.broadcast %jit3A_298 : f32 to vector<256x8192xf32>
    %broadcast_in_dim3A_301 = vector.broadcast %jit3A_299 : f32 to vector<256x8192xf32>
    %select_n3A_302 = arith.select %le3A_297, %broadcast_in_dim3A_300, %broadcast_in_dim3A_301 : vector<256x8192xi1>, vector<256x8192xf32>
    %dot_general3A_303 = arith.constant dense<0.000000e+00> : vector<256x1xf32>
    %dot_general3A_304 = tpu.matmul %select_n3A_302, %broadcast_in_dim3A_95, %dot_general3A_303 {dimension_numbers = #tpu.dot_dimension_numbers<[1], [0], [0], [1], [0, 0, 1, 1], [], []>, transpose_lhs_hint = false} : vector<256x8192xf32>, vector<8192x1xf32>, vector<256x1xf32> -> vector<256x1xf32>
    %le3A_305 = arith.constant 2.100000e+01 : f32
    %le3A_306 = vector.broadcast %le3A_305 : f32 to vector<256x8192xf32>
    %le3A_307 = arith.cmpf ole, %add3A_93, %le3A_306 : vector<256x8192xf32>
    %jit3A_308 = arith.constant 1.000000e+00 : f32
    %jit3A_309 = arith.constant 0.000000e+00 : f32
    %broadcast_in_dim3A_310 = vector.broadcast %jit3A_308 : f32 to vector<256x8192xf32>
    %broadcast_in_dim3A_311 = vector.broadcast %jit3A_309 : f32 to vector<256x8192xf32>
    %select_n3A_312 = arith.select %le3A_307, %broadcast_in_dim3A_310, %broadcast_in_dim3A_311 : vector<256x8192xi1>, vector<256x8192xf32>
    %dot_general3A_313 = arith.constant dense<0.000000e+00> : vector<256x1xf32>
    %dot_general3A_314 = tpu.matmul %select_n3A_312, %broadcast_in_dim3A_95, %dot_general3A_313 {dimension_numbers = #tpu.dot_dimension_numbers<[1], [0], [0], [1], [0, 0, 1, 1], [], []>, transpose_lhs_hint = false} : vector<256x8192xf32>, vector<8192x1xf32>, vector<256x1xf32> -> vector<256x1xf32>
    %le3A_315 = arith.constant 2.200000e+01 : f32
    %le3A_316 = vector.broadcast %le3A_315 : f32 to vector<256x8192xf32>
    %le3A_317 = arith.cmpf ole, %add3A_93, %le3A_316 : vector<256x8192xf32>
    %jit3A_318 = arith.constant 1.000000e+00 : f32
    %jit3A_319 = arith.constant 0.000000e+00 : f32
    %broadcast_in_dim3A_320 = vector.broadcast %jit3A_318 : f32 to vector<256x8192xf32>
    %broadcast_in_dim3A_321 = vector.broadcast %jit3A_319 : f32 to vector<256x8192xf32>
    %select_n3A_322 = arith.select %le3A_317, %broadcast_in_dim3A_320, %broadcast_in_dim3A_321 : vector<256x8192xi1>, vector<256x8192xf32>
    %dot_general3A_323 = arith.constant dense<0.000000e+00> : vector<256x1xf32>
    %dot_general3A_324 = tpu.matmul %select_n3A_322, %broadcast_in_dim3A_95, %dot_general3A_323 {dimension_numbers = #tpu.dot_dimension_numbers<[1], [0], [0], [1], [0, 0, 1, 1], [], []>, transpose_lhs_hint = false} : vector<256x8192xf32>, vector<8192x1xf32>, vector<256x1xf32> -> vector<256x1xf32>
    %le3A_325 = arith.constant 2.300000e+01 : f32
    %le3A_326 = vector.broadcast %le3A_325 : f32 to vector<256x8192xf32>
    %le3A_327 = arith.cmpf ole, %add3A_93, %le3A_326 : vector<256x8192xf32>
    %jit3A_328 = arith.constant 1.000000e+00 : f32
    %jit3A_329 = arith.constant 0.000000e+00 : f32
    %broadcast_in_dim3A_330 = vector.broadcast %jit3A_328 : f32 to vector<256x8192xf32>
    %broadcast_in_dim3A_331 = vector.broadcast %jit3A_329 : f32 to vector<256x8192xf32>
    %select_n3A_332 = arith.select %le3A_327, %broadcast_in_dim3A_330, %broadcast_in_dim3A_331 : vector<256x8192xi1>, vector<256x8192xf32>
    %dot_general3A_333 = arith.constant dense<0.000000e+00> : vector<256x1xf32>
    %dot_general3A_334 = tpu.matmul %select_n3A_332, %broadcast_in_dim3A_95, %dot_general3A_333 {dimension_numbers = #tpu.dot_dimension_numbers<[1], [0], [0], [1], [0, 0, 1, 1], [], []>, transpose_lhs_hint = false} : vector<256x8192xf32>, vector<8192x1xf32>, vector<256x1xf32> -> vector<256x1xf32>
    %le3A_335 = arith.constant 2.400000e+01 : f32
    %le3A_336 = vector.broadcast %le3A_335 : f32 to vector<256x8192xf32>
    %le3A_337 = arith.cmpf ole, %add3A_93, %le3A_336 : vector<256x8192xf32>
    %jit3A_338 = arith.constant 1.000000e+00 : f32
    %jit3A_339 = arith.constant 0.000000e+00 : f32
    %broadcast_in_dim3A_340 = vector.broadcast %jit3A_338 : f32 to vector<256x8192xf32>
    %broadcast_in_dim3A_341 = vector.broadcast %jit3A_339 : f32 to vector<256x8192xf32>
    %select_n3A_342 = arith.select %le3A_337, %broadcast_in_dim3A_340, %broadcast_in_dim3A_341 : vector<256x8192xi1>, vector<256x8192xf32>
    %dot_general3A_343 = arith.constant dense<0.000000e+00> : vector<256x1xf32>
    %dot_general3A_344 = tpu.matmul %select_n3A_342, %broadcast_in_dim3A_95, %dot_general3A_343 {dimension_numbers = #tpu.dot_dimension_numbers<[1], [0], [0], [1], [0, 0, 1, 1], [], []>, transpose_lhs_hint = false} : vector<256x8192xf32>, vector<8192x1xf32>, vector<256x1xf32> -> vector<256x1xf32>
    %le3A_345 = arith.constant 2.500000e+01 : f32
    %le3A_346 = vector.broadcast %le3A_345 : f32 to vector<256x8192xf32>
    %le3A_347 = arith.cmpf ole, %add3A_93, %le3A_346 : vector<256x8192xf32>
    %jit3A_348 = arith.constant 1.000000e+00 : f32
    %jit3A_349 = arith.constant 0.000000e+00 : f32
    %broadcast_in_dim3A_350 = vector.broadcast %jit3A_348 : f32 to vector<256x8192xf32>
    %broadcast_in_dim3A_351 = vector.broadcast %jit3A_349 : f32 to vector<256x8192xf32>
    %select_n3A_352 = arith.select %le3A_347, %broadcast_in_dim3A_350, %broadcast_in_dim3A_351 : vector<256x8192xi1>, vector<256x8192xf32>
    %dot_general3A_353 = arith.constant dense<0.000000e+00> : vector<256x1xf32>
    %dot_general3A_354 = tpu.matmul %select_n3A_352, %broadcast_in_dim3A_95, %dot_general3A_353 {dimension_numbers = #tpu.dot_dimension_numbers<[1], [0], [0], [1], [0, 0, 1, 1], [], []>, transpose_lhs_hint = false} : vector<256x8192xf32>, vector<8192x1xf32>, vector<256x1xf32> -> vector<256x1xf32>
    %le3A_355 = arith.constant 2.600000e+01 : f32
    %le3A_356 = vector.broadcast %le3A_355 : f32 to vector<256x8192xf32>
    %le3A_357 = arith.cmpf ole, %add3A_93, %le3A_356 : vector<256x8192xf32>
    %jit3A_358 = arith.constant 1.000000e+00 : f32
    %jit3A_359 = arith.constant 0.000000e+00 : f32
    %broadcast_in_dim3A_360 = vector.broadcast %jit3A_358 : f32 to vector<256x8192xf32>
    %broadcast_in_dim3A_361 = vector.broadcast %jit3A_359 : f32 to vector<256x8192xf32>
    %select_n3A_362 = arith.select %le3A_357, %broadcast_in_dim3A_360, %broadcast_in_dim3A_361 : vector<256x8192xi1>, vector<256x8192xf32>
    %dot_general3A_363 = arith.constant dense<0.000000e+00> : vector<256x1xf32>
    %dot_general3A_364 = tpu.matmul %select_n3A_362, %broadcast_in_dim3A_95, %dot_general3A_363 {dimension_numbers = #tpu.dot_dimension_numbers<[1], [0], [0], [1], [0, 0, 1, 1], [], []>, transpose_lhs_hint = false} : vector<256x8192xf32>, vector<8192x1xf32>, vector<256x1xf32> -> vector<256x1xf32>
    %le3A_365 = arith.constant 2.700000e+01 : f32
    %le3A_366 = vector.broadcast %le3A_365 : f32 to vector<256x8192xf32>
    %le3A_367 = arith.cmpf ole, %add3A_93, %le3A_366 : vector<256x8192xf32>
    %jit3A_368 = arith.constant 1.000000e+00 : f32
    %jit3A_369 = arith.constant 0.000000e+00 : f32
    %broadcast_in_dim3A_370 = vector.broadcast %jit3A_368 : f32 to vector<256x8192xf32>
    %broadcast_in_dim3A_371 = vector.broadcast %jit3A_369 : f32 to vector<256x8192xf32>
    %select_n3A_372 = arith.select %le3A_367, %broadcast_in_dim3A_370, %broadcast_in_dim3A_371 : vector<256x8192xi1>, vector<256x8192xf32>
    %dot_general3A_373 = arith.constant dense<0.000000e+00> : vector<256x1xf32>
    %dot_general3A_374 = tpu.matmul %select_n3A_372, %broadcast_in_dim3A_95, %dot_general3A_373 {dimension_numbers = #tpu.dot_dimension_numbers<[1], [0], [0], [1], [0, 0, 1, 1], [], []>, transpose_lhs_hint = false} : vector<256x8192xf32>, vector<8192x1xf32>, vector<256x1xf32> -> vector<256x1xf32>
    %le3A_375 = arith.constant 2.800000e+01 : f32
    %le3A_376 = vector.broadcast %le3A_375 : f32 to vector<256x8192xf32>
    %le3A_377 = arith.cmpf ole, %add3A_93, %le3A_376 : vector<256x8192xf32>
    %jit3A_378 = arith.constant 1.000000e+00 : f32
    %jit3A_379 = arith.constant 0.000000e+00 : f32
    %broadcast_in_dim3A_380 = vector.broadcast %jit3A_378 : f32 to vector<256x8192xf32>
    %broadcast_in_dim3A_381 = vector.broadcast %jit3A_379 : f32 to vector<256x8192xf32>
    %select_n3A_382 = arith.select %le3A_377, %broadcast_in_dim3A_380, %broadcast_in_dim3A_381 : vector<256x8192xi1>, vector<256x8192xf32>
    %dot_general3A_383 = arith.constant dense<0.000000e+00> : vector<256x1xf32>
    %dot_general3A_384 = tpu.matmul %select_n3A_382, %broadcast_in_dim3A_95, %dot_general3A_383 {dimension_numbers = #tpu.dot_dimension_numbers<[1], [0], [0], [1], [0, 0, 1, 1], [], []>, transpose_lhs_hint = false} : vector<256x8192xf32>, vector<8192x1xf32>, vector<256x1xf32> -> vector<256x1xf32>
    %le3A_385 = arith.constant 2.900000e+01 : f32
    %le3A_386 = vector.broadcast %le3A_385 : f32 to vector<256x8192xf32>
    %le3A_387 = arith.cmpf ole, %add3A_93, %le3A_386 : vector<256x8192xf32>
    %jit3A_388 = arith.constant 1.000000e+00 : f32
    %jit3A_389 = arith.constant 0.000000e+00 : f32
    %broadcast_in_dim3A_390 = vector.broadcast %jit3A_388 : f32 to vector<256x8192xf32>
    %broadcast_in_dim3A_391 = vector.broadcast %jit3A_389 : f32 to vector<256x8192xf32>
    %select_n3A_392 = arith.select %le3A_387, %broadcast_in_dim3A_390, %broadcast_in_dim3A_391 : vector<256x8192xi1>, vector<256x8192xf32>
    %dot_general3A_393 = arith.constant dense<0.000000e+00> : vector<256x1xf32>
    %dot_general3A_394 = tpu.matmul %select_n3A_392, %broadcast_in_dim3A_95, %dot_general3A_393 {dimension_numbers = #tpu.dot_dimension_numbers<[1], [0], [0], [1], [0, 0, 1, 1], [], []>, transpose_lhs_hint = false} : vector<256x8192xf32>, vector<8192x1xf32>, vector<256x1xf32> -> vector<256x1xf32>
    %le3A_395 = arith.constant 3.000000e+01 : f32
    %le3A_396 = vector.broadcast %le3A_395 : f32 to vector<256x8192xf32>
    %le3A_397 = arith.cmpf ole, %add3A_93, %le3A_396 : vector<256x8192xf32>
    %jit3A_398 = arith.constant 1.000000e+00 : f32
    %jit3A_399 = arith.constant 0.000000e+00 : f32
    %broadcast_in_dim3A_400 = vector.broadcast %jit3A_398 : f32 to vector<256x8192xf32>
    %broadcast_in_dim3A_401 = vector.broadcast %jit3A_399 : f32 to vector<256x8192xf32>
    %select_n3A_402 = arith.select %le3A_397, %broadcast_in_dim3A_400, %broadcast_in_dim3A_401 : vector<256x8192xi1>, vector<256x8192xf32>
    %dot_general3A_403 = arith.constant dense<0.000000e+00> : vector<256x1xf32>
    %dot_general3A_404 = tpu.matmul %select_n3A_402, %broadcast_in_dim3A_95, %dot_general3A_403 {dimension_numbers = #tpu.dot_dimension_numbers<[1], [0], [0], [1], [0, 0, 1, 1], [], []>, transpose_lhs_hint = false} : vector<256x8192xf32>, vector<8192x1xf32>, vector<256x1xf32> -> vector<256x1xf32>
    %le3A_405 = arith.constant 3.100000e+01 : f32
    %le3A_406 = vector.broadcast %le3A_405 : f32 to vector<256x8192xf32>
    %le3A_407 = arith.cmpf ole, %add3A_93, %le3A_406 : vector<256x8192xf32>
    %jit3A_408 = arith.constant 1.000000e+00 : f32
    %jit3A_409 = arith.constant 0.000000e+00 : f32
    %broadcast_in_dim3A_410 = vector.broadcast %jit3A_408 : f32 to vector<256x8192xf32>
    %broadcast_in_dim3A_411 = vector.broadcast %jit3A_409 : f32 to vector<256x8192xf32>
    %select_n3A_412 = arith.select %le3A_407, %broadcast_in_dim3A_410, %broadcast_in_dim3A_411 : vector<256x8192xi1>, vector<256x8192xf32>
    %dot_general3A_413 = arith.constant dense<0.000000e+00> : vector<256x1xf32>
    %dot_general3A_414 = tpu.matmul %select_n3A_412, %broadcast_in_dim3A_95, %dot_general3A_413 {dimension_numbers = #tpu.dot_dimension_numbers<[1], [0], [0], [1], [0, 0, 1, 1], [], []>, transpose_lhs_hint = false} : vector<256x8192xf32>, vector<8192x1xf32>, vector<256x1xf32> -> vector<256x1xf32>
    %concatenate3A_415 = tpu.concatenate %dot_general3A_104, %dot_general3A_114, %dot_general3A_124, %dot_general3A_134, %dot_general3A_144, %dot_general3A_154, %dot_general3A_164, %dot_general3A_174, %dot_general3A_184, %dot_general3A_194, %dot_general3A_204, %dot_general3A_214, %dot_general3A_224, %dot_general3A_234, %dot_general3A_244, %dot_general3A_254, %dot_general3A_264, %dot_general3A_274, %dot_general3A_284, %dot_general3A_294, %dot_general3A_304, %dot_general3A_314, %dot_general3A_324, %dot_general3A_334, %dot_general3A_344, %dot_general3A_354, %dot_general3A_364, %dot_general3A_374, %dot_general3A_384, %dot_general3A_394, %dot_general3A_404, %dot_general3A_414 in 1 : vector<256x1xf32>, vector<256x1xf32>, vector<256x1xf32>, vector<256x1xf32>, vector<256x1xf32>, vector<256x1xf32>, vector<256x1xf32>, vector<256x1xf32>, vector<256x1xf32>, vector<256x1xf32>, vector<256x1xf32>, vector<256x1xf32>, vector<256x1xf32>, vector<256x1xf32>, vector<256x1xf32>, vector<256x1xf32>, vector<256x1xf32>, vector<256x1xf32>, vector<256x1xf32>, vector<256x1xf32>, vector<256x1xf32>, vector<256x1xf32>, vector<256x1xf32>, vector<256x1xf32>, vector<256x1xf32>, vector<256x1xf32>, vector<256x1xf32>, vector<256x1xf32>, vector<256x1xf32>, vector<256x1xf32>, vector<256x1xf32>, vector<256x1xf32> -> vector<256x32xf32>
    %convert_element_type3A = arith.fptosi %concatenate3A_415 : vector<256x32xf32> to vector<256x32xi32>
    %slice3A_416 = vector.extract_strided_slice %convert_element_type3A {offsets = [0, 0], sizes = [256, 1], strides = [1, 1]} : vector<256x32xi32> to vector<256x1xi32>
    %eq3A = arith.constant 8192 : i32
    %eq3A_417 = vector.broadcast %eq3A : i32 to vector<256x32xi32>
    %eq3A_418 = arith.cmpi eq, %convert_element_type3A, %eq3A_417 : vector<256x32xi32>
    %broadcast_in_dim3A_419 = vector.shape_cast %slice3A_416 : vector<256x1xi32> to vector<256x1xi32>
    %broadcast_in_dim3A_420 = vector.broadcast %broadcast_in_dim3A_419 : vector<256x1xi32> to vector<256x32xi32>
    %select_n3A_421 = arith.select %eq3A_418, %broadcast_in_dim3A_420, %convert_element_type3A : vector<256x32xi1>, vector<256x32xi32>
    %mul3A_422 = arith.constant 8192 : i32
    %mul3A_423 = arith.muli %arg0, %mul3A_422 : i32
    %add3A_424 = vector.broadcast %mul3A_423 : i32 to vector<256x32xi32>
    %add3A_425 = arith.addi %select_n3A_421, %add3A_424 : vector<256x32xi32>
    %swap3A = arith.constant 0 : index
    %swap3A_426 = arith.constant 0 : index
    %swap3A_427 = vector.load %arg4[%swap3A, %swap3A_426] : memref<256x32xi32, #tpu.memory_space<vmem>>, vector<256x32xi32>
    tpu.vector_store %arg4[%swap3A, %swap3A_426], %add3A_425 {strides = array<i32>} : memref<256x32xi32, #tpu.memory_space<vmem>>, vector<256x32xi32>,
    return
  }
  func.func @transform_0(%arg0: i32, %arg1: i32) -> (i32, i32, i32) {
    %c0_i32 = arith.constant 0 : i32
    %c0_i32_0 = arith.constant 0 : i32
    %c0_i32_1 = arith.constant 0 : i32
    return %arg0, %c0_i32, %c0_i32_0 : i32, i32, i32
  }
  func.func @transform_1(%arg0: i32, %arg1: i32) -> (i32, i32) {
    %mul3A = arith.constant 8 : i32
    %mul3A_0 = arith.muli %arg0, %mul3A : i32
    %add3A = arith.addi %mul3A_0, %arg1 : i32
    %c0_i32 = arith.constant 0 : i32
    %c0_i32_1 = arith.constant 0 : i32
    return %add3A, %c0_i32 : i32, i32
  }
  func.func @transform_2(%arg0: i32, %arg1: i32) -> (i32, i32) {
    %mul3A = arith.constant 8 : i32
    %mul3A_0 = arith.muli %arg0, %mul3A : i32
    %add3A = arith.addi %mul3A_0, %arg1 : i32
    %c0_i32 = arith.constant 0 : i32
    %c0_i32_1 = arith.constant 0 : i32
    return %add3A, %c0_i32 : i32, i32
  }
}

module attributes {stable_mosaic.version = 14 : i64} {
  func.func @_k_stats1(%arg0: i32, %arg1: memref<128x128xf32, #tpu.memory_space<vmem>>, %arg2: memref<128x2048xf32, #tpu.memory_space<vmem>>, %arg3: memref<8x128xf32, #tpu.memory_space<vmem>>) attributes {dimension_semantics = [#tpu.dimension_semantics<arbitrary>], iteration_bounds = array<i64: 8>, scalar_prefetch = 0 : i64, scratch_operands = 0 : i64, tpu.core_type = #tpu.core_type<tc>, window_params = [{pipeline_mode = #tpu.pipeline_mode<synchronous>, transform_indices = @transform_0, window_bounds = array<i64: 128, 128>}, {transform_indices = @transform_1, window_bounds = array<i64: 128, 2048>}, {pipeline_mode = #tpu.pipeline_mode<synchronous>, transform_indices = @transform_2, window_bounds = array<i64: 8, 128>}]} {
    %get3A = arith.constant 0 : index
    %get3A_0 = arith.constant 0 : index
    %get3A_1 = vector.load %arg1[%get3A, %get3A_0] : memref<128x128xf32, #tpu.memory_space<vmem>>, vector<128x128xf32>
    %get3A_2 = arith.constant 0 : index
    %get3A_3 = arith.constant 0 : index
    %get3A_4 = vector.load %arg2[%get3A_2, %get3A_3] : memref<128x2048xf32, #tpu.memory_space<vmem>>, vector<128x2048xf32>
    %dot_general3A = arith.constant dense<0.000000e+00> : vector<128x2048xf32>
    %dot_general3A_5 = tpu.matmul %get3A_1, %get3A_4, %dot_general3A {dimension_numbers = #tpu.dot_dimension_numbers<[1], [0], [0], [1], [0, 0, 1, 1], [], []>, transpose_lhs_hint = false} : vector<128x128xf32>, vector<128x2048xf32>, vector<128x2048xf32> -> vector<128x2048xf32>
    %eq3A = arith.constant 0 : i32
    %eq3A_6 = arith.cmpi eq, %arg0, %eq3A : i32
    %convert_element_type3A = arith.extui %eq3A_6 : i1 to i32
    %cond3A = arith.constant 0 : i32
    %cond3A_7 = arith.cmpi ne, %convert_element_type3A, %cond3A : i32
    scf.if %cond3A_7 {
      %broadcast_in_dim3A_25 = arith.constant 0.000000e+00 : f32
      %broadcast_in_dim3A_26 = vector.broadcast %broadcast_in_dim3A_25 : f32 to vector<8x128xf32>
      %swap3A_27 = arith.constant 0 : index
      %swap3A_28 = arith.constant 0 : index
      %swap3A_29 = vector.load %arg3[%swap3A_27, %swap3A_28] : memref<8x128xf32, #tpu.memory_space<vmem>>, vector<8x128xf32>
      tpu.vector_store %arg3[%swap3A_27, %swap3A_28], %broadcast_in_dim3A_26 {strides = array<i32>} : memref<8x128xf32, #tpu.memory_space<vmem>>, vector<8x128xf32>,
    } else {
    }
    %get3A_8 = arith.constant 0 : index
    %get3A_9 = arith.constant 0 : index
    %get3A_10 = vector.load %arg3[%get3A_8, %get3A_9] : memref<8x128xf32, #tpu.memory_space<vmem>>, vector<1x128xf32>
    %reduce_sum3A = arith.constant dense<0.000000e+00> : vector<128xf32>
    %reduce_sum3A_11 = vector.multi_reduction <add>, %dot_general3A_5, %reduce_sum3A [1] : vector<128x2048xf32> to vector<128xf32>
    %broadcast_in_dim3A = vector.shape_cast %reduce_sum3A_11 : vector<128xf32> to vector<128x1xf32>
    %transpose3A = tpu.transpose %broadcast_in_dim3A, [1, 0] : vector<128x1xf32> -> vector<1x128xf32>
    %add3A = arith.addf %get3A_10, %transpose3A : vector<1x128xf32>
    %swap3A = arith.constant 0 : index
    %swap3A_12 = arith.constant 0 : index
    %swap3A_13 = vector.load %arg3[%swap3A, %swap3A_12] : memref<8x128xf32, #tpu.memory_space<vmem>>, vector<1x128xf32>
    tpu.vector_store %arg3[%swap3A, %swap3A_12], %add3A {strides = array<i32>} : memref<8x128xf32, #tpu.memory_space<vmem>>, vector<1x128xf32>,
    %get3A_14 = arith.constant 1 : index
    %get3A_15 = arith.constant 0 : index
    %get3A_16 = vector.load %arg3[%get3A_14, %get3A_15] : memref<8x128xf32, #tpu.memory_space<vmem>>, vector<1x128xf32>
    %mul3A = arith.mulf %dot_general3A_5, %dot_general3A_5 : vector<128x2048xf32>
    %reduce_sum3A_17 = arith.constant dense<0.000000e+00> : vector<128xf32>
    %reduce_sum3A_18 = vector.multi_reduction <add>, %mul3A, %reduce_sum3A_17 [1] : vector<128x2048xf32> to vector<128xf32>
    %broadcast_in_dim3A_19 = vector.shape_cast %reduce_sum3A_18 : vector<128xf32> to vector<128x1xf32>
    %transpose3A_20 = tpu.transpose %broadcast_in_dim3A_19, [1, 0] : vector<128x1xf32> -> vector<1x128xf32>
    %add3A_21 = arith.addf %get3A_16, %transpose3A_20 : vector<1x128xf32>
    %swap3A_22 = arith.constant 1 : index
    %swap3A_23 = arith.constant 0 : index
    %swap3A_24 = vector.load %arg3[%swap3A_22, %swap3A_23] : memref<8x128xf32, #tpu.memory_space<vmem>>, vector<1x128xf32>
    tpu.vector_store %arg3[%swap3A_22, %swap3A_23], %add3A_21 {strides = array<i32>} : memref<8x128xf32, #tpu.memory_space<vmem>>, vector<1x128xf32>,
    return
  }
  func.func @transform_0(%arg0: i32) -> (i32, i32) {
    %c0_i32 = arith.constant 0 : i32
    %c0_i32_0 = arith.constant 0 : i32
    %c0_i32_1 = arith.constant 0 : i32
    return %c0_i32, %c0_i32_0 : i32, i32
  }
  func.func @transform_1(%arg0: i32) -> (i32, i32) {
    %c0_i32 = arith.constant 0 : i32
    %c0_i32_0 = arith.constant 0 : i32
    return %c0_i32, %arg0 : i32, i32
  }
  func.func @transform_2(%arg0: i32) -> (i32, i32) {
    %c0_i32 = arith.constant 0 : i32
    %c0_i32_0 = arith.constant 0 : i32
    %c0_i32_1 = arith.constant 0 : i32
    return %c0_i32, %c0_i32_0 : i32, i32
  }
}

module attributes {stable_mosaic.version = 14 : i64} {
  func.func @_k_mlp1(%arg0: i32, %arg1: memref<128x128xf32, #tpu.memory_space<vmem>>, %arg2: memref<128x1xf32, #tpu.memory_space<vmem>>, %arg3: memref<256x128xf32, #tpu.memory_space<vmem>>, %arg4: memref<128x1024xf32, #tpu.memory_space<vmem>>, %arg5: memref<1024x256xf32, #tpu.memory_space<vmem>>, %arg6: memref<8x256xf32, #tpu.memory_space<vmem>>) attributes {dimension_semantics = [#tpu.dimension_semantics<arbitrary>], iteration_bounds = array<i64: 16>, scalar_prefetch = 0 : i64, scratch_operands = 0 : i64, tpu.core_type = #tpu.core_type<tc>, window_params = [{pipeline_mode = #tpu.pipeline_mode<synchronous>, transform_indices = @transform_0, window_bounds = array<i64: 128, 128>}, {pipeline_mode = #tpu.pipeline_mode<synchronous>, transform_indices = @transform_1, window_bounds = array<i64: 128, 1>}, {pipeline_mode = #tpu.pipeline_mode<synchronous>, transform_indices = @transform_2, window_bounds = array<i64: 256, 128>}, {transform_indices = @transform_3, window_bounds = array<i64: 128, 1024>}, {transform_indices = @transform_4, window_bounds = array<i64: 1024, 256>}, {pipeline_mode = #tpu.pipeline_mode<synchronous>, transform_indices = @transform_5, window_bounds = array<i64: 8, 256>}]} {
    %get3A = arith.constant 0 : index
    %get3A_0 = arith.constant 0 : index
    %get3A_1 = vector.load %arg1[%get3A, %get3A_0] : memref<128x128xf32, #tpu.memory_space<vmem>>, vector<128x128xf32>
    %get3A_2 = arith.constant 0 : index
    %get3A_3 = arith.constant 0 : index
    %get3A_4 = vector.load %arg4[%get3A_2, %get3A_3] : memref<128x1024xf32, #tpu.memory_space<vmem>>, vector<128x1024xf32>
    %dot_general3A = arith.constant dense<0.000000e+00> : vector<128x1024xf32>
    %dot_general3A_5 = tpu.matmul %get3A_1, %get3A_4, %dot_general3A {dimension_numbers = #tpu.dot_dimension_numbers<[1], [0], [0], [1], [0, 0, 1, 1], [], []>, transpose_lhs_hint = false} : vector<128x128xf32>, vector<128x1024xf32>, vector<128x1024xf32> -> vector<128x1024xf32>
    %get3A_6 = arith.constant 0 : index
    %get3A_7 = arith.constant 0 : index
    %get3A_8 = vector.load %arg2[%get3A_6, %get3A_7] : memref<128x1xf32, #tpu.memory_space<vmem>>, vector<128x1xf32>
    %add3A = vector.broadcast %get3A_8 : vector<128x1xf32> to vector<128x1024xf32>
    %add3A_9 = arith.addf %dot_general3A_5, %add3A : vector<128x1024xf32>
    %max3A = arith.constant 0.000000e+00 : f32
    %max3A_10 = vector.broadcast %max3A : f32 to vector<128x1024xf32>
    %max3A_11 = arith.maximumf %add3A_9, %max3A_10 : vector<128x1024xf32>
    %get3A_12 = arith.constant 0 : index
    %get3A_13 = arith.constant 0 : index
    %get3A_14 = vector.load %arg3[%get3A_12, %get3A_13] : memref<256x128xf32, #tpu.memory_space<vmem>>, vector<256x128xf32>
    %dot_general3A_15 = arith.constant dense<0.000000e+00> : vector<1024x256xf32>
    %dot_general3A_16 = tpu.matmul %max3A_11, %get3A_14, %dot_general3A_15 {dimension_numbers = #tpu.dot_dimension_numbers<[0], [1], [1], [0], [0, 1, 1, 0], [], []>, transpose_lhs_hint = false} : vector<128x1024xf32>, vector<256x128xf32>, vector<1024x256xf32> -> vector<1024x256xf32>
    %swap3A = arith.constant 0 : index
    %swap3A_17 = arith.constant 0 : index
    %swap3A_18 = vector.load %arg5[%swap3A, %swap3A_17] : memref<1024x256xf32, #tpu.memory_space<vmem>>, vector<1024x256xf32>
    tpu.vector_store %arg5[%swap3A, %swap3A_17], %dot_general3A_16 {strides = array<i32>} : memref<1024x256xf32, #tpu.memory_space<vmem>>, vector<1024x256xf32>,
    %eq3A = arith.constant 0 : i32
    %eq3A_19 = arith.cmpi eq, %arg0, %eq3A : i32
    %convert_element_type3A = arith.extui %eq3A_19 : i1 to i32
    %cond3A = arith.constant 0 : i32
    %cond3A_20 = arith.cmpi ne, %convert_element_type3A, %cond3A : i32
    scf.if %cond3A_20 {
      %broadcast_in_dim3A_39 = arith.constant 0.000000e+00 : f32
      %broadcast_in_dim3A_40 = vector.broadcast %broadcast_in_dim3A_39 : f32 to vector<8x256xf32>
      %swap3A_41 = arith.constant 0 : index
      %swap3A_42 = arith.constant 0 : index
      %swap3A_43 = vector.load %arg6[%swap3A_41, %swap3A_42] : memref<8x256xf32, #tpu.memory_space<vmem>>, vector<8x256xf32>
      tpu.vector_store %arg6[%swap3A_41, %swap3A_42], %broadcast_in_dim3A_40 {strides = array<i32>} : memref<8x256xf32, #tpu.memory_space<vmem>>, vector<8x256xf32>,
    } else {
    }
    %get3A_21 = arith.constant 0 : index
    %get3A_22 = arith.constant 0 : index
    %get3A_23 = vector.load %arg6[%get3A_21, %get3A_22] : memref<8x256xf32, #tpu.memory_space<vmem>>, vector<1x256xf32>
    %reduce_sum3A = arith.constant dense<0.000000e+00> : vector<256xf32>
    %reduce_sum3A_24 = vector.multi_reduction <add>, %dot_general3A_16, %reduce_sum3A [0] : vector<1024x256xf32> to vector<256xf32>
    %broadcast_in_dim3A = vector.shape_cast %reduce_sum3A_24 : vector<256xf32> to vector<1x256xf32>
    %add3A_25 = arith.addf %get3A_23, %broadcast_in_dim3A : vector<1x256xf32>
    %swap3A_26 = arith.constant 0 : index
    %swap3A_27 = arith.constant 0 : index
    %swap3A_28 = vector.load %arg6[%swap3A_26, %swap3A_27] : memref<8x256xf32, #tpu.memory_space<vmem>>, vector<1x256xf32>
    tpu.vector_store %arg6[%swap3A_26, %swap3A_27], %add3A_25 {strides = array<i32>} : memref<8x256xf32, #tpu.memory_space<vmem>>, vector<1x256xf32>,
    %get3A_29 = arith.constant 1 : index
    %get3A_30 = arith.constant 0 : index
    %get3A_31 = vector.load %arg6[%get3A_29, %get3A_30] : memref<8x256xf32, #tpu.memory_space<vmem>>, vector<1x256xf32>
    %mul3A = arith.mulf %dot_general3A_16, %dot_general3A_16 : vector<1024x256xf32>
    %reduce_sum3A_32 = arith.constant dense<0.000000e+00> : vector<256xf32>
    %reduce_sum3A_33 = vector.multi_reduction <add>, %mul3A, %reduce_sum3A_32 [0] : vector<1024x256xf32> to vector<256xf32>
    %broadcast_in_dim3A_34 = vector.shape_cast %reduce_sum3A_33 : vector<256xf32> to vector<1x256xf32>
    %add3A_35 = arith.addf %get3A_31, %broadcast_in_dim3A_34 : vector<1x256xf32>
    %swap3A_36 = arith.constant 1 : index
    %swap3A_37 = arith.constant 0 : index
    %swap3A_38 = vector.load %arg6[%swap3A_36, %swap3A_37] : memref<8x256xf32, #tpu.memory_space<vmem>>, vector<1x256xf32>
    tpu.vector_store %arg6[%swap3A_36, %swap3A_37], %add3A_35 {strides = array<i32>} : memref<8x256xf32, #tpu.memory_space<vmem>>, vector<1x256xf32>,
    return
  }
  func.func @transform_0(%arg0: i32) -> (i32, i32) {
    %c0_i32 = arith.constant 0 : i32
    %c0_i32_0 = arith.constant 0 : i32
    %c0_i32_1 = arith.constant 0 : i32
    return %c0_i32, %c0_i32_0 : i32, i32
  }
  func.func @transform_1(%arg0: i32) -> (i32, i32) {
    %c0_i32 = arith.constant 0 : i32
    %c0_i32_0 = arith.constant 0 : i32
    %c0_i32_1 = arith.constant 0 : i32
    return %c0_i32, %c0_i32_0 : i32, i32
  }
  func.func @transform_2(%arg0: i32) -> (i32, i32) {
    %c0_i32 = arith.constant 0 : i32
    %c0_i32_0 = arith.constant 0 : i32
    %c0_i32_1 = arith.constant 0 : i32
    return %c0_i32, %c0_i32_0 : i32, i32
  }
  func.func @transform_3(%arg0: i32) -> (i32, i32) {
    %c0_i32 = arith.constant 0 : i32
    %c0_i32_0 = arith.constant 0 : i32
    return %c0_i32, %arg0 : i32, i32
  }
  func.func @transform_4(%arg0: i32) -> (i32, i32) {
    %c0_i32 = arith.constant 0 : i32
    %c0_i32_0 = arith.constant 0 : i32
    return %arg0, %c0_i32 : i32, i32
  }
  func.func @transform_5(%arg0: i32) -> (i32, i32) {
    %c0_i32 = arith.constant 0 : i32
    %c0_i32_0 = arith.constant 0 : i32
    %c0_i32_1 = arith.constant 0 : i32
    return %c0_i32, %c0_i32_0 : i32, i32
  }
}

module attributes {stable_mosaic.version = 14 : i64} {
  func.func @_k_dpstats(%arg0: i32, %arg1: memref<1024x128xf32, #tpu.memory_space<vmem>>, %arg2: memref<32x128xf32, #tpu.memory_space<vmem>>, %arg3: memref<8x128xf32, #tpu.memory_space<vmem>>, %arg4: memref<128x128xf32, #tpu.memory_space<vmem>>) attributes {dimension_semantics = [#tpu.dimension_semantics<arbitrary>], iteration_bounds = array<i64: 128>, scalar_prefetch = 0 : i64, scratch_operands = 0 : i64, tpu.core_type = #tpu.core_type<tc>, window_params = [{transform_indices = @transform_0, window_bounds = array<i64: 1024, 128>}, {transform_indices = @transform_1, window_bounds = array<i64: 32, 128>}, {pipeline_mode = #tpu.pipeline_mode<synchronous>, transform_indices = @transform_2, window_bounds = array<i64: 8, 128>}, {pipeline_mode = #tpu.pipeline_mode<synchronous>, transform_indices = @transform_3, window_bounds = array<i64: 128, 128>}]} {
    %get3A = arith.constant 0 : index
    %get3A_0 = arith.constant 0 : index
    %get3A_1 = vector.load %arg1[%get3A, %get3A_0] : memref<1024x128xf32, #tpu.memory_space<vmem>>, vector<1024x128xf32>
    %get3A_2 = arith.constant 0 : index
    %get3A_3 = arith.constant 0 : index
    %get3A_4 = vector.load %arg2[%get3A_2, %get3A_3] : memref<32x128xf32, #tpu.memory_space<vmem>>, vector<32x128xf32>
    %reshape3A = vector.shape_cast %get3A_1 : vector<1024x128xf32> to vector<32x32x128xf32>
    %broadcast_in_dim3A = vector.shape_cast %get3A_4 : vector<32x128xf32> to vector<32x1x128xf32>
    %sub3A = vector.broadcast %broadcast_in_dim3A : vector<32x1x128xf32> to vector<32x32x128xf32>
    %sub3A_5 = arith.subf %reshape3A, %sub3A : vector<32x32x128xf32>
    %div3A = arith.constant 1.000000e-01 : f32
    %div3A_6 = vector.broadcast %div3A : f32 to vector<32x32x128xf32>
    %div3A_7 = arith.divf %sub3A_5, %div3A_6 : vector<32x32x128xf32>
    %reshape3A_8 = vector.shape_cast %div3A_7 : vector<32x32x128xf32> to vector<1024x128xf32>
    %eq3A = arith.constant 0 : i32
    %eq3A_9 = arith.cmpi eq, %arg0, %eq3A : i32
    %convert_element_type3A = arith.extui %eq3A_9 : i1 to i32
    %cond3A = arith.constant 0 : i32
    %cond3A_10 = arith.cmpi ne, %convert_element_type3A, %cond3A : i32
    scf.if %cond3A_10 {
      %broadcast_in_dim3A_26 = arith.constant 0.000000e+00 : f32
      %broadcast_in_dim3A_27 = vector.broadcast %broadcast_in_dim3A_26 : f32 to vector<8x128xf32>
      %swap3A_28 = arith.constant 0 : index
      %swap3A_29 = arith.constant 0 : index
      %swap3A_30 = vector.load %arg3[%swap3A_28, %swap3A_29] : memref<8x128xf32, #tpu.memory_space<vmem>>, vector<8x128xf32>
      tpu.vector_store %arg3[%swap3A_28, %swap3A_29], %broadcast_in_dim3A_27 {strides = array<i32>} : memref<8x128xf32, #tpu.memory_space<vmem>>, vector<8x128xf32>,
      %broadcast_in_dim3A_31 = arith.constant 0.000000e+00 : f32
      %broadcast_in_dim3A_32 = vector.broadcast %broadcast_in_dim3A_31 : f32 to vector<128x128xf32>
      %swap3A_33 = arith.constant 0 : index
      %swap3A_34 = arith.constant 0 : index
      %swap3A_35 = vector.load %arg4[%swap3A_33, %swap3A_34] : memref<128x128xf32, #tpu.memory_space<vmem>>, vector<128x128xf32>
      tpu.vector_store %arg4[%swap3A_33, %swap3A_34], %broadcast_in_dim3A_32 {strides = array<i32>} : memref<128x128xf32, #tpu.memory_space<vmem>>, vector<128x128xf32>,
    } else {
    }
    %get3A_11 = arith.constant 0 : index
    %get3A_12 = arith.constant 0 : index
    %get3A_13 = vector.load %arg3[%get3A_11, %get3A_12] : memref<8x128xf32, #tpu.memory_space<vmem>>, vector<1x128xf32>
    %reduce_sum3A = arith.constant dense<0.000000e+00> : vector<128xf32>
    %reduce_sum3A_14 = vector.multi_reduction <add>, %reshape3A_8, %reduce_sum3A [0] : vector<1024x128xf32> to vector<128xf32>
    %broadcast_in_dim3A_15 = vector.shape_cast %reduce_sum3A_14 : vector<128xf32> to vector<1x128xf32>
    %add3A = arith.addf %get3A_13, %broadcast_in_dim3A_15 : vector<1x128xf32>
    %swap3A = arith.constant 0 : index
    %swap3A_16 = arith.constant 0 : index
    %swap3A_17 = vector.load %arg3[%swap3A, %swap3A_16] : memref<8x128xf32, #tpu.memory_space<vmem>>, vector<1x128xf32>
    tpu.vector_store %arg3[%swap3A, %swap3A_16], %add3A {strides = array<i32>} : memref<8x128xf32, #tpu.memory_space<vmem>>, vector<1x128xf32>,
    %get3A_18 = arith.constant 0 : index
    %get3A_19 = arith.constant 0 : index
    %get3A_20 = vector.load %arg4[%get3A_18, %get3A_19] : memref<128x128xf32, #tpu.memory_space<vmem>>, vector<128x128xf32>
    %dot_general3A = arith.constant dense<0.000000e+00> : vector<128x128xf32>
    %dot_general3A_21 = tpu.matmul %reshape3A_8, %reshape3A_8, %dot_general3A {dimension_numbers = #tpu.dot_dimension_numbers<[0], [0], [1], [1], [0, 1, 1, 1], [], []>, transpose_lhs_hint = false} : vector<1024x128xf32>, vector<1024x128xf32>, vector<128x128xf32> -> vector<128x128xf32>
    %add3A_22 = arith.addf %get3A_20, %dot_general3A_21 : vector<128x128xf32>
    %swap3A_23 = arith.constant 0 : index
    %swap3A_24 = arith.constant 0 : index
    %swap3A_25 = vector.load %arg4[%swap3A_23, %swap3A_24] : memref<128x128xf32, #tpu.memory_space<vmem>>, vector<128x128xf32>
    tpu.vector_store %arg4[%swap3A_23, %swap3A_24], %add3A_22 {strides = array<i32>} : memref<128x128xf32, #tpu.memory_space<vmem>>, vector<128x128xf32>,
    return
  }
  func.func @transform_0(%arg0: i32) -> (i32, i32) {
    %c0_i32 = arith.constant 0 : i32
    %c0_i32_0 = arith.constant 0 : i32
    return %arg0, %c0_i32 : i32, i32
  }
  func.func @transform_1(%arg0: i32) -> (i32, i32) {
    %c0_i32 = arith.constant 0 : i32
    %c0_i32_0 = arith.constant 0 : i32
    return %arg0, %c0_i32 : i32, i32
  }
  func.func @transform_2(%arg0: i32) -> (i32, i32) {
    %c0_i32 = arith.constant 0 : i32
    %c0_i32_0 = arith.constant 0 : i32
    %c0_i32_1 = arith.constant 0 : i32
    return %c0_i32, %c0_i32_0 : i32, i32
  }
  func.func @transform_3(%arg0: i32) -> (i32, i32) {
    %c0_i32 = arith.constant 0 : i32
    %c0_i32_0 = arith.constant 0 : i32
    %c0_i32_1 = arith.constant 0 : i32
    return %c0_i32, %c0_i32_0 : i32, i32
  }
}

module attributes {stable_mosaic.version = 14 : i64} {
  func.func @_k_r3stats(%arg0: i32, %arg1: memref<1024x128xf32, #tpu.memory_space<vmem>>, %arg2: memref<32x128xf32, #tpu.memory_space<vmem>>, %arg3: memref<128x128xf32, #tpu.memory_space<vmem>>, %arg4: memref<1x128xf32, #tpu.memory_space<vmem>>, %arg5: memref<8x128xf32, #tpu.memory_space<vmem>>, %arg6: memref<128x128xf32, #tpu.memory_space<vmem>>) attributes {dimension_semantics = [#tpu.dimension_semantics<arbitrary>], iteration_bounds = array<i64: 128>, scalar_prefetch = 0 : i64, scratch_operands = 0 : i64, tpu.core_type = #tpu.core_type<tc>, window_params = [{transform_indices = @transform_0, window_bounds = array<i64: 1024, 128>}, {transform_indices = @transform_1, window_bounds = array<i64: 32, 128>}, {pipeline_mode = #tpu.pipeline_mode<synchronous>, transform_indices = @transform_2, window_bounds = array<i64: 128, 128>}, {pipeline_mode = #tpu.pipeline_mode<synchronous>, transform_indices = @transform_3, window_bounds = array<i64: 1, 128>}, {pipeline_mode = #tpu.pipeline_mode<synchronous>, transform_indices = @transform_4, window_bounds = array<i64: 8, 128>}, {pipeline_mode = #tpu.pipeline_mode<synchronous>, transform_indices = @transform_5, window_bounds = array<i64: 128, 128>}]} {
    %get3A = arith.constant 0 : index
    %get3A_0 = arith.constant 0 : index
    %get3A_1 = vector.load %arg1[%get3A, %get3A_0] : memref<1024x128xf32, #tpu.memory_space<vmem>>, vector<1024x128xf32>
    %get3A_2 = arith.constant 0 : index
    %get3A_3 = arith.constant 0 : index
    %get3A_4 = vector.load %arg2[%get3A_2, %get3A_3] : memref<32x128xf32, #tpu.memory_space<vmem>>, vector<32x128xf32>
    %reshape3A = vector.shape_cast %get3A_1 : vector<1024x128xf32> to vector<32x32x128xf32>
    %broadcast_in_dim3A = vector.shape_cast %get3A_4 : vector<32x128xf32> to vector<32x1x128xf32>
    %sub3A = vector.broadcast %broadcast_in_dim3A : vector<32x1x128xf32> to vector<32x32x128xf32>
    %sub3A_5 = arith.subf %reshape3A, %sub3A : vector<32x32x128xf32>
    %div3A = arith.constant 1.000000e-01 : f32
    %div3A_6 = vector.broadcast %div3A : f32 to vector<32x32x128xf32>
    %div3A_7 = arith.divf %sub3A_5, %div3A_6 : vector<32x32x128xf32>
    %reshape3A_8 = vector.shape_cast %div3A_7 : vector<32x32x128xf32> to vector<1024x128xf32>
    %get3A_9 = arith.constant 0 : index
    %get3A_10 = arith.constant 0 : index
    %get3A_11 = vector.load %arg3[%get3A_9, %get3A_10] : memref<128x128xf32, #tpu.memory_space<vmem>>, vector<128x128xf32>
    %dot_general3A = arith.constant dense<0.000000e+00> : vector<1024x128xf32>
    %dot_general3A_12 = tpu.matmul %reshape3A_8, %get3A_11, %dot_general3A {dimension_numbers = #tpu.dot_dimension_numbers<[1], [1], [0], [0], [0, 0, 1, 0], [], []>, transpose_lhs_hint = false} : vector<1024x128xf32>, vector<128x128xf32>, vector<1024x128xf32> -> vector<1024x128xf32>
    %get3A_13 = arith.constant 0 : index
    %get3A_14 = arith.constant 0 : index
    %get3A_15 = vector.load %arg4[%get3A_13, %get3A_14] : memref<1x128xf32, #tpu.memory_space<vmem>>, vector<1x128xf32>
    %add3A = vector.broadcast %get3A_15 : vector<1x128xf32> to vector<1024x128xf32>
    %add3A_16 = arith.addf %dot_general3A_12, %add3A : vector<1024x128xf32>
    %max3A = arith.constant 0.000000e+00 : f32
    %max3A_17 = vector.broadcast %max3A : f32 to vector<1024x128xf32>
    %max3A_18 = arith.maximumf %add3A_16, %max3A_17 : vector<1024x128xf32>
    %eq3A = arith.constant 0 : i32
    %eq3A_19 = arith.cmpi eq, %arg0, %eq3A : i32
    %convert_element_type3A = arith.extui %eq3A_19 : i1 to i32
    %cond3A = arith.constant 0 : i32
    %cond3A_20 = arith.cmpi ne, %convert_element_type3A, %cond3A : i32
    scf.if %cond3A_20 {
      %broadcast_in_dim3A_38 = arith.constant 0.000000e+00 : f32
      %broadcast_in_dim3A_39 = vector.broadcast %broadcast_in_dim3A_38 : f32 to vector<8x128xf32>
      %swap3A_40 = arith.constant 0 : index
      %swap3A_41 = arith.constant 0 : index
      %swap3A_42 = vector.load %arg5[%swap3A_40, %swap3A_41] : memref<8x128xf32, #tpu.memory_space<vmem>>, vector<8x128xf32>
      tpu.vector_store %arg5[%swap3A_40, %swap3A_41], %broadcast_in_dim3A_39 {strides = array<i32>} : memref<8x128xf32, #tpu.memory_space<vmem>>, vector<8x128xf32>,
      %broadcast_in_dim3A_43 = arith.constant 0.000000e+00 : f32
      %broadcast_in_dim3A_44 = vector.broadcast %broadcast_in_dim3A_43 : f32 to vector<128x128xf32>
      %swap3A_45 = arith.constant 0 : index
      %swap3A_46 = arith.constant 0 : index
      %swap3A_47 = vector.load %arg6[%swap3A_45, %swap3A_46] : memref<128x128xf32, #tpu.memory_space<vmem>>, vector<128x128xf32>
      tpu.vector_store %arg6[%swap3A_45, %swap3A_46], %broadcast_in_dim3A_44 {strides = array<i32>} : memref<128x128xf32, #tpu.memory_space<vmem>>, vector<128x128xf32>,
    } else {
    }
    %get3A_21 = arith.constant 0 : index
    %get3A_22 = arith.constant 0 : index
    %get3A_23 = vector.load %arg5[%get3A_21, %get3A_22] : memref<8x128xf32, #tpu.memory_space<vmem>>, vector<1x128xf32>
    %reduce_sum3A = arith.constant dense<0.000000e+00> : vector<128xf32>
    %reduce_sum3A_24 = vector.multi_reduction <add>, %max3A_18, %reduce_sum3A [0] : vector<1024x128xf32> to vector<128xf32>
    %broadcast_in_dim3A_25 = vector.shape_cast %reduce_sum3A_24 : vector<128xf32> to vector<1x128xf32>
    %add3A_26 = arith.addf %get3A_23, %broadcast_in_dim3A_25 : vector<1x128xf32>
    %swap3A = arith.constant 0 : index
    %swap3A_27 = arith.constant 0 : index
    %swap3A_28 = vector.load %arg5[%swap3A, %swap3A_27] : memref<8x128xf32, #tpu.memory_space<vmem>>, vector<1x128xf32>
    tpu.vector_store %arg5[%swap3A, %swap3A_27], %add3A_26 {strides = array<i32>} : memref<8x128xf32, #tpu.memory_space<vmem>>, vector<1x128xf32>,
    %get3A_29 = arith.constant 0 : index
    %get3A_30 = arith.constant 0 : index
    %get3A_31 = vector.load %arg6[%get3A_29, %get3A_30] : memref<128x128xf32, #tpu.memory_space<vmem>>, vector<128x128xf32>
    %dot_general3A_32 = arith.constant dense<0.000000e+00> : vector<128x128xf32>
    %dot_general3A_33 = tpu.matmul %max3A_18, %max3A_18, %dot_general3A_32 {dimension_numbers = #tpu.dot_dimension_numbers<[0], [0], [1], [1], [0, 1, 1, 1], [], []>, transpose_lhs_hint = false} : vector<1024x128xf32>, vector<1024x128xf32>, vector<128x128xf32> -> vector<128x128xf32>
    %add3A_34 = arith.addf %get3A_31, %dot_general3A_33 : vector<128x128xf32>
    %swap3A_35 = arith.constant 0 : index
    %swap3A_36 = arith.constant 0 : index
    %swap3A_37 = vector.load %arg6[%swap3A_35, %swap3A_36] : memref<128x128xf32, #tpu.memory_space<vmem>>, vector<128x128xf32>
    tpu.vector_store %arg6[%swap3A_35, %swap3A_36], %add3A_34 {strides = array<i32>} : memref<128x128xf32, #tpu.memory_space<vmem>>, vector<128x128xf32>,
    return
  }
  func.func @transform_0(%arg0: i32) -> (i32, i32) {
    %c0_i32 = arith.constant 0 : i32
    %c0_i32_0 = arith.constant 0 : i32
    return %arg0, %c0_i32 : i32, i32
  }
  func.func @transform_1(%arg0: i32) -> (i32, i32) {
    %c0_i32 = arith.constant 0 : i32
    %c0_i32_0 = arith.constant 0 : i32
    return %arg0, %c0_i32 : i32, i32
  }
  func.func @transform_2(%arg0: i32) -> (i32, i32) {
    %c0_i32 = arith.constant 0 : i32
    %c0_i32_0 = arith.constant 0 : i32
    %c0_i32_1 = arith.constant 0 : i32
    return %c0_i32, %c0_i32_0 : i32, i32
  }
  func.func @transform_3(%arg0: i32) -> (i32, i32) {
    %c0_i32 = arith.constant 0 : i32
    %c0_i32_0 = arith.constant 0 : i32
    %c0_i32_1 = arith.constant 0 : i32
    return %c0_i32, %c0_i32_0 : i32, i32
  }
  func.func @transform_4(%arg0: i32) -> (i32, i32) {
    %c0_i32 = arith.constant 0 : i32
    %c0_i32_0 = arith.constant 0 : i32
    %c0_i32_1 = arith.constant 0 : i32
    return %c0_i32, %c0_i32_0 : i32, i32
  }
  func.func @transform_5(%arg0: i32) -> (i32, i32) {
    %c0_i32 = arith.constant 0 : i32
    %c0_i32_0 = arith.constant 0 : i32
    %c0_i32_1 = arith.constant 0 : i32
    return %c0_i32, %c0_i32_0 : i32, i32
  }
}

module attributes {stable_mosaic.version = 14 : i64} {
  func.func @_k_final(%arg0: i32, %arg1: memref<1024x128xf32, #tpu.memory_space<vmem>>, %arg2: memref<32x128xf32, #tpu.memory_space<vmem>>, %arg3: memref<1024x256xf32, #tpu.memory_space<vmem>>, %arg4: memref<128x128xf32, #tpu.memory_space<vmem>>, %arg5: memref<1x128xf32, #tpu.memory_space<vmem>>, %arg6: memref<256x128xf32, #tpu.memory_space<vmem>>, %arg7: memref<1x256xf32, #tpu.memory_space<vmem>>, %arg8: memref<1x256xf32, #tpu.memory_space<vmem>>, %arg9: memref<1x256xf32, #tpu.memory_space<vmem>>, %arg10: memref<32x256xf32, #tpu.memory_space<vmem>>) attributes {dimension_semantics = [#tpu.dimension_semantics<arbitrary>], iteration_bounds = array<i64: 128>, scalar_prefetch = 0 : i64, scratch_operands = 0 : i64, tpu.core_type = #tpu.core_type<tc>, window_params = [{transform_indices = @transform_0, window_bounds = array<i64: 1024, 128>}, {transform_indices = @transform_1, window_bounds = array<i64: 32, 128>}, {transform_indices = @transform_2, window_bounds = array<i64: 1024, 256>}, {pipeline_mode = #tpu.pipeline_mode<synchronous>, transform_indices = @transform_3, window_bounds = array<i64: 128, 128>}, {pipeline_mode = #tpu.pipeline_mode<synchronous>, transform_indices = @transform_4, window_bounds = array<i64: 1, 128>}, {pipeline_mode = #tpu.pipeline_mode<synchronous>, transform_indices = @transform_5, window_bounds = array<i64: 256, 128>}, {pipeline_mode = #tpu.pipeline_mode<synchronous>, transform_indices = @transform_6, window_bounds = array<i64: 1, 256>}, {pipeline_mode = #tpu.pipeline_mode<synchronous>, transform_indices = @transform_7, window_bounds = array<i64: 1, 256>}, {pipeline_mode = #tpu.pipeline_mode<synchronous>, transform_indices = @transform_8, window_bounds = array<i64: 1, 256>}, {transform_indices = @transform_9, window_bounds = array<i64: 32, 256>}]} {
    %get3A = arith.constant 0 : index
    %get3A_0 = arith.constant 0 : index
    %get3A_1 = vector.load %arg1[%get3A, %get3A_0] : memref<1024x128xf32, #tpu.memory_space<vmem>>, vector<1024x128xf32>
    %get3A_2 = arith.constant 0 : index
    %get3A_3 = arith.constant 0 : index
    %get3A_4 = vector.load %arg2[%get3A_2, %get3A_3] : memref<32x128xf32, #tpu.memory_space<vmem>>, vector<32x128xf32>
    %reshape3A = vector.shape_cast %get3A_1 : vector<1024x128xf32> to vector<32x32x128xf32>
    %broadcast_in_dim3A = vector.shape_cast %get3A_4 : vector<32x128xf32> to vector<32x1x128xf32>
    %sub3A = vector.broadcast %broadcast_in_dim3A : vector<32x1x128xf32> to vector<32x32x128xf32>
    %sub3A_5 = arith.subf %reshape3A, %sub3A : vector<32x32x128xf32>
    %div3A = arith.constant 1.000000e-01 : f32
    %div3A_6 = vector.broadcast %div3A : f32 to vector<32x32x128xf32>
    %div3A_7 = arith.divf %sub3A_5, %div3A_6 : vector<32x32x128xf32>
    %reshape3A_8 = vector.shape_cast %div3A_7 : vector<32x32x128xf32> to vector<1024x128xf32>
    %get3A_9 = arith.constant 0 : index
    %get3A_10 = arith.constant 0 : index
    %get3A_11 = vector.load %arg4[%get3A_9, %get3A_10] : memref<128x128xf32, #tpu.memory_space<vmem>>, vector<128x128xf32>
    %dot_general3A = arith.constant dense<0.000000e+00> : vector<1024x128xf32>
    %dot_general3A_12 = tpu.matmul %reshape3A_8, %get3A_11, %dot_general3A {dimension_numbers = #tpu.dot_dimension_numbers<[1], [1], [0], [0], [0, 0, 1, 0], [], []>, transpose_lhs_hint = false} : vector<1024x128xf32>, vector<128x128xf32>, vector<1024x128xf32> -> vector<1024x128xf32>
    %get3A_13 = arith.constant 0 : index
    %get3A_14 = arith.constant 0 : index
    %get3A_15 = vector.load %arg5[%get3A_13, %get3A_14] : memref<1x128xf32, #tpu.memory_space<vmem>>, vector<1x128xf32>
    %add3A = vector.broadcast %get3A_15 : vector<1x128xf32> to vector<1024x128xf32>
    %add3A_16 = arith.addf %dot_general3A_12, %add3A : vector<1024x128xf32>
    %max3A = arith.constant 0.000000e+00 : f32
    %max3A_17 = vector.broadcast %max3A : f32 to vector<1024x128xf32>
    %max3A_18 = arith.maximumf %add3A_16, %max3A_17 : vector<1024x128xf32>
    %get3A_19 = arith.constant 0 : index
    %get3A_20 = arith.constant 0 : index
    %get3A_21 = vector.load %arg6[%get3A_19, %get3A_20] : memref<256x128xf32, #tpu.memory_space<vmem>>, vector<256x128xf32>
    %dot_general3A_22 = arith.constant dense<0.000000e+00> : vector<1024x256xf32>
    %dot_general3A_23 = tpu.matmul %max3A_18, %get3A_21, %dot_general3A_22 {dimension_numbers = #tpu.dot_dimension_numbers<[1], [1], [0], [0], [0, 0, 1, 0], [], []>, transpose_lhs_hint = false} : vector<1024x128xf32>, vector<256x128xf32>, vector<1024x256xf32> -> vector<1024x256xf32>
    %get3A_24 = arith.constant 0 : index
    %get3A_25 = arith.constant 0 : index
    %get3A_26 = vector.load %arg7[%get3A_24, %get3A_25] : memref<1x256xf32, #tpu.memory_space<vmem>>, vector<1x256xf32>
    %add3A_27 = vector.broadcast %get3A_26 : vector<1x256xf32> to vector<1024x256xf32>
    %add3A_28 = arith.addf %dot_general3A_23, %add3A_27 : vector<1024x256xf32>
    %max3A_29 = arith.constant 0.000000e+00 : f32
    %max3A_30 = vector.broadcast %max3A_29 : f32 to vector<1024x256xf32>
    %max3A_31 = arith.maximumf %add3A_28, %max3A_30 : vector<1024x256xf32>
    %get3A_32 = arith.constant 0 : index
    %get3A_33 = arith.constant 0 : index
    %get3A_34 = vector.load %arg3[%get3A_32, %get3A_33] : memref<1024x256xf32, #tpu.memory_space<vmem>>, vector<1024x256xf32>
    %get3A_35 = arith.constant 0 : index
    %get3A_36 = arith.constant 0 : index
    %get3A_37 = vector.load %arg8[%get3A_35, %get3A_36] : memref<1x256xf32, #tpu.memory_space<vmem>>, vector<1x256xf32>
    %mul3A = vector.broadcast %get3A_37 : vector<1x256xf32> to vector<1024x256xf32>
    %mul3A_38 = arith.mulf %get3A_34, %mul3A : vector<1024x256xf32>
    %get3A_39 = arith.constant 0 : index
    %get3A_40 = arith.constant 0 : index
    %get3A_41 = vector.load %arg9[%get3A_39, %get3A_40] : memref<1x256xf32, #tpu.memory_space<vmem>>, vector<1x256xf32>
    %add3A_42 = vector.broadcast %get3A_41 : vector<1x256xf32> to vector<1024x256xf32>
    %add3A_43 = arith.addf %mul3A_38, %add3A_42 : vector<1024x256xf32>
    %max3A_44 = arith.constant 0.000000e+00 : f32
    %max3A_45 = vector.broadcast %max3A_44 : f32 to vector<1024x256xf32>
    %max3A_46 = arith.maximumf %add3A_43, %max3A_45 : vector<1024x256xf32>
    %add3A_47 = arith.addf %max3A_31, %max3A_46 : vector<1024x256xf32>
    %reshape3A_48 = vector.shape_cast %add3A_47 : vector<1024x256xf32> to vector<32x32x256xf32>
    %reduce_max3A = arith.constant dense<0xFF800000> : vector<32x256xf32>
    %reduce_max3A_49 = vector.multi_reduction <maximumf>, %reshape3A_48, %reduce_max3A [1] : vector<32x32x256xf32> to vector<32x256xf32>
    %swap3A = arith.constant 0 : index
    %swap3A_50 = arith.constant 0 : index
    %swap3A_51 = vector.load %arg10[%swap3A, %swap3A_50] : memref<32x256xf32, #tpu.memory_space<vmem>>, vector<32x256xf32>
    tpu.vector_store %arg10[%swap3A, %swap3A_50], %reduce_max3A_49 {strides = array<i32>} : memref<32x256xf32, #tpu.memory_space<vmem>>, vector<32x256xf32>,
    return
  }
  func.func @transform_0(%arg0: i32) -> (i32, i32) {
    %c0_i32 = arith.constant 0 : i32
    %c0_i32_0 = arith.constant 0 : i32
    return %arg0, %c0_i32 : i32, i32
  }
  func.func @transform_1(%arg0: i32) -> (i32, i32) {
    %c0_i32 = arith.constant 0 : i32
    %c0_i32_0 = arith.constant 0 : i32
    return %arg0, %c0_i32 : i32, i32
  }
  func.func @transform_2(%arg0: i32) -> (i32, i32) {
    %c0_i32 = arith.constant 0 : i32
    %c0_i32_0 = arith.constant 0 : i32
    return %arg0, %c0_i32 : i32, i32
  }
  func.func @transform_3(%arg0: i32) -> (i32, i32) {
    %c0_i32 = arith.constant 0 : i32
    %c0_i32_0 = arith.constant 0 : i32
    %c0_i32_1 = arith.constant 0 : i32
    return %c0_i32, %c0_i32_0 : i32, i32
  }
  func.func @transform_4(%arg0: i32) -> (i32, i32) {
    %c0_i32 = arith.constant 0 : i32
    %c0_i32_0 = arith.constant 0 : i32
    %c0_i32_1 = arith.constant 0 : i32
    return %c0_i32, %c0_i32_0 : i32, i32
  }
  func.func @transform_5(%arg0: i32) -> (i32, i32) {
    %c0_i32 = arith.constant 0 : i32
    %c0_i32_0 = arith.constant 0 : i32
    %c0_i32_1 = arith.constant 0 : i32
    return %c0_i32, %c0_i32_0 : i32, i32
  }
  func.func @transform_6(%arg0: i32) -> (i32, i32) {
    %c0_i32 = arith.constant 0 : i32
    %c0_i32_0 = arith.constant 0 : i32
    %c0_i32_1 = arith.constant 0 : i32
    return %c0_i32, %c0_i32_0 : i32, i32
  }
  func.func @transform_7(%arg0: i32) -> (i32, i32) {
    %c0_i32 = arith.constant 0 : i32
    %c0_i32_0 = arith.constant 0 : i32
    %c0_i32_1 = arith.constant 0 : i32
    return %c0_i32, %c0_i32_0 : i32, i32
  }
  func.func @transform_8(%arg0: i32) -> (i32, i32) {
    %c0_i32 = arith.constant 0 : i32
    %c0_i32_0 = arith.constant 0 : i32
    %c0_i32_1 = arith.constant 0 : i32
    return %c0_i32, %c0_i32_0 : i32, i32
  }
  func.func @transform_9(%arg0: i32) -> (i32, i32) {
    %c0_i32 = arith.constant 0 : i32
    %c0_i32_0 = arith.constant 0 : i32
    return %arg0, %c0_i32 : i32, i32
  }
}

</mosaic_0001>

<sc_bundles>
// kernel: kernel.11.cloned.1.call-start
scs
__scs_entry_jumppad:
0x0: {  	(pc) =	sbr.rel $0x88, $3  }
0x1: {  	(tag) =	ssettag $0x0;
	lr =	simm.s32 $0x1  }
0x2: {  	[smem:$0x3F92] =	sst lr;
	_ =	strace $0xD0000000  }
0x3: {  	_ = 	snop  }
0x4: {  	_ = 	snop  }
0x5: {  	_ = 	snop  }
0x6: {  	_ = 	snop  }
0x7: {  	_ = 	snop  }
__scs_overlays_trampoline_lowered:
0x8: {  	[smem:$0x3FA1] =	sst s0  }
0x9: {  	[smem:$0x3FA2] =	sst s1  }
0xa: {  	[smem:$0x3FA3] =	sst s2  }
0xb: {  	[smem:$0x3FA4] =	sst s3  }
0xc: {  	[smem:$0x3FA5] =	sst s4  }
0xd: {  	[smem:$0x3FA6] =	sst s5  }
0xe: {  	[smem:$0x3FA7] =	sst s6  }
0xf: {  	[smem:$0x3FA8] =	sst s7  }
0x10: {  	[smem:$0x3FA9] =	sst s8  }
0x11: {  	[smem:$0x3FAA] =	sst s9;
	s0 =	simm.s32 @!p0 $0x0  }
0x12: {  	s1 =	sld [smem:$0x3F90];
	s0 =	simm.s32 @p0 $0x1  }
0x13: {  	[smem:$0x3FAB] =	sst s0;
	s0 =	simm.s32 @!p1 $0x0  }
0x14: {  	s2 =	sld [smem:$0x3F8F];
	s0 =	simm.s32 @p1 $0x1  }
0x15: {  	[smem:$0x3FAC] =	sst s0;
	s0 =	simm.s32 @!p2 $0x0  }
0x16: {  	s3 =	sld [smem:$0x3FDB];
	s0 =	simm.s32 @p2 $0x1  }
0x17: {  	s4 =	simm.s32 $0x1BF5;
	[smem:$0x3FAE] =	sst s0  }
0x18: {  	s0 =	sld [smem:$0x3F91];
	_ =	swait.ge [sflag:s4], $0x0  }
0x19: {  	s7 =	sld [smem:$0x3F92]  }
0x1a: {  	s8 =	sadd.s32 $0xFFFFE003, lr  }
0x1b: {  	s9 =	sadd.s32 $0xFFFFFEF7, lr;
	s5 =	simm.s32 $0xFFFFFFFF;
	p2 =	slt.u32 s8, $0xFFFFF086  }
0x1c: {  	p1 =	slt.u32 s9, $0xF7A;
	s5 =	simm.s32 @!p2 $0x0  }
0x1d: {  	s5 =	simm.s32 @p1 $0x1;
	p0 =	seq.s32 s7, s2  }
0x1e: {  	s7 =	smul.u32 @!p0 $0xF7A, s2;
	p2 =	seq.s32 @!p0 s5, $0x0  }
0x1f: {  	s9 =	smul.u32 $0xF7A, s1;
	s8 =	simm.s32 @!p0 $0x1BF5;
	p2 =	por !p2, p0  }
0x20: {  	[sflag:s8] =	ssyncset.s32 @!p0 $0xFFFFF086;
	s6 =	sadd.s32 @!p0 s3, s7;
	s7 =	simm.s32 @!p0 $0x108  }
0x21: {  	s3 =	sadd.s32 s3, s9;
	s6 =	sadd.s32 @!p0 $0x88, s6;
	s7 =	simm.s32 @p2 $0x1082  }
0x22: {  	[simem:s7], [sflag:s8] =	dma.local @!p0 [hbm:s6], $0xF7A  }
0x23: {  	s9 =	sor.u32 $0xD0000000, s2;
	s6 =	simm.s32 $0x108;
	_ =	swait.ge @!p0 [sflag:s8], $0x0  }
0x24: {  	s3 =	sadd.s32 $0x88, s3;
	s6 =	simm.s32 @!p1 $0x1082;
	[sflag:s4] =	ssyncset.s32 $0xFFFFF086  }
0x25: {  	[simem:s6], [sflag:s4] =	dma.local [hbm:s3], $0xF7A  }
0x26: {  	[smem:$0x3F92] =	sst s1;
	(tag) =	ssettag s2;
	_ =	strace s9  }
0x27: {  	s1 =	sld [smem:$0x3FA2]  }
0x28: {  	s2 =	sld [smem:$0x3FA3]  }
0x29: {  	s4 =	sld [smem:$0x3FA5]  }
0x2a: {  	p0 =	seq.s32 s5, $0x0;
	s5 =	sld [smem:$0x3FA6]  }
0x2b: {  	s6 =	sld [smem:$0x3FA7]  }
0x2c: {  	s7 =	sld [smem:$0x3FA8]  }
0x2d: {  	s3 =	simm.s32 $0x108;
	s8 =	sld [smem:$0x3FA9]  }
0x2e: {  	s3 =	simm.s32 @!p0 $0x1082;
	s9 =	sld [smem:$0x3FAA]  }
0x2f: {  	lr =	sadd.s32 s0, s3;
	s0 =	sld [smem:$0x3FA1]  }
0x30: {  	s3 =	sld [smem:$0x3FA4]  }
0x31: {  	[smem:$0x3FAD] =	sst s10  }
0x32: {  	s10 =	sld [smem:$0x3FAB];
	_ =	sdelay $0x3  }
0x33: {  	p0 =	seq.s32 s10, $0x1;
	s10 =	sld [smem:$0x3FAD];
	_ =	sdelay $0x3  }
0x34: {  	[smem:$0x3FAD] =	sst s10  }
0x35: {  	s10 =	sld [smem:$0x3FAC];
	_ =	sdelay $0x3  }
0x36: {  	p1 =	seq.s32 s10, $0x1;
	s10 =	sld [smem:$0x3FAD];
	_ =	sdelay $0x3  }
0x37: {  	[smem:$0x3FAD] =	sst s10  }
0x38: {  	s10 =	sld [smem:$0x3FAE]  }
0x39: {  	_ = 	snop;
	(pc) =	sbr.ind lr, $3  }
0x3a: {  	_ = 	snop  }
0x3b: {  	_ = 	snop  }
0x3c: {  	p2 =	seq.s32 s10, $0x1;
	s10 =	sld [smem:$0x3FAD]  }
0x3d: {  	_ =	shalt  }
0x3e: {  	_ =	shalt  }
0x3f: {  	_ =	shalt  }
0x40: {  	_ =	shalt  }
0x41: {  	_ =	shalt  }
0x42: {  	_ =	shalt  }
0x43: {  	_ =	shalt  }
0x44: {  	_ =	shalt  }
0x45: {  	_ =	shalt  }
0x46: {  	_ =	shalt  }
0x47: {  	_ =	shalt  }
0x48: {  	_ =	shalt  }
0x49: {  	_ =	shalt  }
0x4a: {  	_ =	shalt  }
0x4b: {  	_ =	shalt  }
0x4c: {  	_ =	shalt  }
0x4d: {  	_ =	shalt  }
0x4e: {  	_ =	shalt  }
0x4f: {  	_ =	shalt  }
0x50: {  	_ =	shalt  }
0x51: {  	_ =	shalt  }
0x52: {  	_ =	shalt  }
0x53: {  	_ =	shalt  }
0x54: {  	_ =	shalt  }
0x55: {  	_ =	shalt  }
0x56: {  	_ =	shalt  }
0x57: {  	_ =	shalt  }
0x58: {  	_ =	shalt  }
0x59: {  	_ =	shalt  }
0x5a: {  	_ =	shalt  }
0x5b: {  	_ =	shalt  }
0x5c: {  	_ =	shalt  }
0x5d: {  	_ =	shalt  }
0x5e: {  	_ =	shalt  }
0x5f: {  	_ =	shalt  }
0x60: {  	_ =	shalt  }
0x61: {  	_ =	shalt  }
0x62: {  	_ =	shalt  }
0x63: {  	_ =	shalt  }
0x64: {  	_ =	shalt  }
0x65: {  	_ =	shalt  }
0x66: {  	_ =	shalt  }
0x67: {  	_ =	shalt  }
0x68: {  	_ =	shalt  }
0x69: {  	_ =	shalt  }
0x6a: {  	_ =	shalt  }
0x6b: {  	_ =	shalt  }
0x6c: {  	_ =	shalt  }
0x6d: {  	_ =	shalt  }
0x6e: {  	_ =	shalt  }
0x6f: {  	_ =	shalt  }
0x70: {  	_ =	shalt  }
0x71: {  	_ =	shalt  }
0x72: {  	_ =	shalt  }
0x73: {  	_ =	shalt  }
0x74: {  	_ =	shalt  }
0x75: {  	_ =	shalt  }
0x76: {  	_ =	shalt  }
0x77: {  	_ =	shalt  }
0x78: {  	_ =	shalt  }
0x79: {  	_ =	shalt  }
0x7a: {  	_ =	shalt  }
0x7b: {  	_ =	shalt  }
0x7c: {  	_ =	shalt  }
0x7d: {  	_ =	shalt  }
0x7e: {  	_ =	shalt  }
0x7f: {  	_ =	shalt  }
0x80: {  	_ =	shalt  }
0x81: {  	_ =	shalt  }
0x82: {  	_ =	shalt  }
0x83: {  	_ =	shalt  }
0x84: {  	_ =	shalt  }
0x85: {  	_ =	shalt  }
0x86: {  	_ =	shalt  }
0x87: {  	_ =	shalt  }
.Lfunc_end0:
.L_simem_size_0:
called_computation_lowered:
.L_overlay_start_0:
0x88: {  	s2 =	sld [smem:$0x3FD9]  }
0x89: {  	s3 =	sld [smem:$0x3FFE];
	_ =	sdelay $0x1  }
0x8a: {  	s1 =	srdreg.scid  }
0x8b: {  	s0 =	sand.u32 $0x1, s1  }
0x8c: {  	s14 =	sshll.u32 s0, $0xA;
	s2 =	sadd.s32 s3, s2  }
0x8d: {  	s2 =	sadd.s32 s2, s14  }
0x8e: {  	[smem:$0x3FB9] =	sst s2  }
0x8f: {  	_ = 	snop  }
0x90: {  	s2 =	sld [smem:$0x3FD0];
	_ =	sdelay $0x2  }
0x91: {  	s15 =	simm.s32 $0xB;
	s4 =	simm.s32 $0x10  }
0x92: {  	[smem:s4], [sflag:s15] =	dma.local [hbm:s2], $0x1  }
0x93: {  	_ =	swait.eq [sflag:s15], $0x1  }
0x94: {  	[sflag:s15] =	ssyncset.done $0x0  }
0x95: {  	s16 =	sld [smem:$0x10];
	[sflag:s15] =	ssyncadd.s32 $0xFFFFFFFF  }
0x96: {  	s17 =	sld [smem:$0x11];
	(tm) =	ssettm $0x1  }
0x97: {  	s18 =	sld [smem:$0x3FFB];
	_ =	sdelay $0x3  }
0x98: {  	_ =	strace s18  }
0x99: {  	s4 =	sld [smem:$0x3FFC];
	_ =	sdelay $0x3  }
0x9a: {  	_ =	strace s4  }
0x9b: {  	s4 =	sld [smem:$0x3FFD];
	_ =	sdelay $0x3  }
0x9c: {  	_ =	strace s4  }
0x9d: {  	_ =	strace $0x8FFFFFFF  }
0x9e: {  	s19 =	sld [smem:$0x3FDB];
	_ =	sdelay $0x1  }
0x9f: {  	s5 =	simm.s32 $_scs_section_size  }
0xa0: {  	s6 =	simm.s32 $_size__tile_overlayer_lowered;
	s7 =	simm.s32 $_tile_overlayer_lowered  }
0xa1: {  	s22 =	simm.s32 $0x1BFF;
	s21 =	sshll.u32 s7, $0x1;
	s4 =	sadd.s32 s5, s19  }
0xa2: {  	s8 =	simm.s32 $0x0;
	s20 =	sshll.u32 s6, $0x1;
	s6 =	sadd.s32 s21, s4  }
0xa3: {  	[timem:s8], [sflag:s22] =	dma.local [hbm:s6], s20  }
0xa4: {  	_ =	swait.ge [sflag:s22], s20  }
0xa5: {  	s5 =	ssub.s32 $0x0, s20;
	[sflag:s22] =	ssyncset.done $0x0  }
0xa6: {  	[sflag:s22] =	ssyncadd.s32 s5;
	_ =	sdelay $0x1  }
0xa7: {  	s23 =	simm.s32 $0x1B8B  }
0xa8: {  	_ =	swait.ge [sflag:s23], $0x1  }
0xa9: {  	[sflag:s23] =	ssyncset.done $0x0  }
0xaa: {  	s25 =	simm.s32 $0x1B8E;
	s24 =	sld [smem:$0x3FFE];
	[sflag:s23] =	ssyncadd.s32 $0xFFFFFFFF  }
0xab: {  	s26 =	simm.s32 $execute0_lowered;
	[smem:$0x3FD2] =	sst s25  }
0xac: {  	s6 =	sshll.u32 s26, $0x1;
	_ =	strace $0x80000046;
	[dreg:$0x1] =	wrdreg $0xFFFFFFFF  }
0xad: {  	s28 =	simm.s32 $_size_execute0_lowered;
	s4 =	sadd.s32 s4, s6;
	[dreg:$0x0] =	wrdreg $0x0  }
0xae: {  	s6 =	sshll.u32 s28, $0x1;
	[dreg:$0x2] =	wrdreg s4  }
0xaf: {  	[dreg:$0x3] =	wrdreg s6  }
0xb0: {  	[dreg:$0x4] =	wrdreg $0xC0  }
0xb1: {  	_ =	task [dreg:s8], $0x5FFFF  }
0xb2: {  	[dreg:$0x1] =	wrdreg $0xFFFFFFFF  }
0xb3: {  	[dreg:$0x0] =	wrdreg $0x60  }
0xb4: {  	[dreg:$0x2] =	wrdreg s24  }
0xb5: {  	[dreg:$0x3] =	wrdreg s16  }
0xb6: {  	[dreg:$0x4] =	wrdreg s17  }
0xb7: {  	[dreg:$0x5] =	wrdreg $0x9  }
0xb8: {  	_ =	task.clear_ibuf [dreg:s8], $0x6FFFF;
	_ =	strace $0x90000046  }
0xb9: {  	s29 =	simm.s32 $0x9;
	_ =	strace $0x80000048  }
0xba: {  	_ =	swait.ge [sflag:s29], $0x1  }
0xbb: {  	[sflag:s29] =	ssyncadd.s32 $0xFFFFFFFF  }
0xbc: {  	_ =	strace $0x90000048  }
0xbd: {  	_ =	sfence  }
0xbe: {  	s30 =	sld [smem:$0x0];
	_ =	sdelay $0x2  }
0xbf: {  	s31 =	sshll.u32 s1, $0xD;
	s1 =	sshrl.u32 s1, $0x2  }
0xc0: {  	s3 =	sand.u32 $0x4000, s31;
	s1 =	sadd.s32 s1, s30  }
0xc1: {  	s0 =	sor.u32 s3, s0;
	s1 =	sshll.u32 s1, $0x11  }
0xc2: {  	s0 =	sor.u32 s1, s0  }
0xc3: {  	s0 =	sadd.s32 $0x8F2B, s0  }
0xc4: {  	[sflag:s0] =	ssyncadd.remote.s32 $0x1  }
0xc5: {  	_ =	sfence.sel $0xFFFF  }
0xc6: {  	[dreg:$0x0] =	wrdreg $0xFFFFFFFF;
	(pc) =	sbr.abs _section_cstart, $3  }
0xc7: {  	[dreg:$0x1] =	wrdreg $0xFFFFFFFF  }
0xc8: {  	_ =	task.clear_ibuf [dreg:s8], $0x2FFFF;
	_ =	strace $0x9FFFFFFF  }
0xc9: {  	(tm) =	ssettm $0x7FFFFFFF  }
tec
execute0_lowered:
.L_overlay_start_1:
0x0: {  	(tag) =	ssettag $0x1  }
0x1: {  	s5 =	rddreg [dreg:$0x0]  }
0x2: {  	s1 =	srdreg.scid;
	s3 =	rddreg [dreg:$0x1]  }
0x3: {  	s0 =	stileid.u32;
	s8 =	rddreg [dreg:$0x2];
	s6 =	sand.u32 $0x1, s1  }
0x4: {  	s2 =	simm.s32 $0x0;
	s4 =	sshll.u32 s0, $0x8;
	s7 =	sshll.u32 s6, $0x7  }
0x5: {  	[smem:$0x7FF] =	sst s2;
	s9 =	sor.u32 s7, s4  }
0x6: {  	s1 =	rddreg [dreg:$0x3];
	_ =	strace $0x80000047;
	s4 =	sshrl.u32 s9, $0x3  }
0x7: {  	s10 =	ssub.s32 $0x2, s6;
	s4 =	sadd.s32 s3, s4;
	s3 =	simm.s32 $0x2  }
0x8: {  	[tilespmem:s2], [sflag:$0x2] =	stream.linear.gather [hbm4b:s4+s2], $0x80, $0x38;
	[tilespmem:$0x4080] =	vst v63  }
0x9: {  	s5 =	sadd.s32 $0x3600, s5;
	s11 =	sshrl.u32 s10, $0x1;
	_ =	swait.ge [sflag:s3], $0x80  }
0xa: {  	s6 =	simm.s32 $0x80;
	s10 =	ssub.s32 s10, s11;
	[sflag:s3] =	ssyncset.done $0x0  }
0xb: {  	s7 =	simm.s32 $0x1;
	s31 =	smax.u32 s10, $0x1;
	[sflag:s3] =	ssyncadd.s32 $0xFFFFFF80  }
0xc: {  	[tilespmem:s6], [sflag:$0x1] =	stream.indirect.gather [hbm4b:s5+s6], $0x80, s2, s6, $0xb8;
	[tilespmem:$0x4080] =	vst v63  }
0xd: {  	p0 =	sne.s32 s31, $0x1;
	_ =	swait.ge [sflag:s7], $0x4000  }
.Ltmp0:
0xe: {  	s9 =	sshll.u32 s9, $0x4;
	[sflag:s7] =	ssyncset.done $0x0;
	(pc) =	sbr.rel @!p0 .LBB2_2-.Ltmp0, $4  }
0xf: {  	s8 =	sadd.s32 s8, s9;
	[sflag:s7] =	ssyncadd.s32 $0xFFFFC000  }
0x10: {  	[hbm4b:s8+s2] =	stream.linear.scatter [tilespmem:s6], [sflag:$0x2], $0x4000, $0x38;
	[tilespmem:$0x4080] =	vst v63  }
0x11: {  	_ =	swait.ge [sflag:s3], $0x4000  }
0x12: {  	s9 =	sadd.s32 $0xFFFFFFFF, s31;
	[sflag:s3] =	ssyncset.done $0x0  }
.LBB2_1:
0x13: {  	p0 =	sne.s32 s9, $0x1;
	s9 =	sadd.s32 $0xFFFFFFFF, s9;
	[sflag:s3] =	ssyncadd.s32 $0xFFFFC000  }
0x14: {  	[tilespmem:s2], [sflag:$0x2] =	stream.linear.gather [hbm4b:s4+s2], $0x80, $0x38;
	[tilespmem:$0x4080] =	vst v63  }
0x15: {  	_ =	swait.ge [sflag:s3], $0x80  }
0x16: {  	[sflag:s3] =	ssyncset.done $0x0  }
0x17: {  	[sflag:s3] =	ssyncadd.s32 $0xFFFFFF80  }
0x18: {  	[tilespmem:s6], [sflag:$0x1] =	stream.indirect.gather [hbm4b:s5+s6], $0x80, s2, s6, $0xb8;
	[tilespmem:$0x4080] =	vst v63  }
0x19: {  	_ =	swait.ge [sflag:s7], $0x4000  }
.Ltmp1:
0x1a: {  	[sflag:s7] =	ssyncset.done $0x0;
	(pc) =	sbr.rel @p0 .LBB2_1-.Ltmp1, $4  }
0x1b: {  	[sflag:s7] =	ssyncadd.s32 $0xFFFFC000  }
0x1c: {  	[hbm4b:s8+s2] =	stream.linear.scatter [tilespmem:s6], [sflag:$0x2], $0x4000, $0x38;
	[tilespmem:$0x4080] =	vst v63  }
0x1d: {  	_ =	swait.ge [sflag:s3], $0x4000  }
0x1e: {  	[sflag:s3] =	ssyncset.done $0x0  }
.LBB2_2:
0x1f: {  	[sflag:s3] =	ssyncadd.s32 $0xFFFFC000  }
0x20: {  	_ =	sfence.sel $0x180000  }
0x21: {  	[bflag:$0x0] =	sbarrier.arrive $0xFFFF  }
0x22: {  	p0 =	sne.s32 s0, $0x0;
	_ =	strace $0x90000047  }
0x23: {  	s0 =	sadd.s32 @!p0 $0x100000, s1;
	[bflag:$0x2] =	sbarrier.arrive $0xFFFF  }
0x24: {  	[sflag:s0] =	ssyncadd.tile.s32 @!p0 $0x1;
	_ =	shalt  }
.Lfunc_end2:
_tile_overlayer_lowered:
.L_overlay_start_2:
0x25: {  	(tag) =	ssettag $0x2  }
0x26: {  	s0 =	rddreg [dreg:$0x0];
	s2 =	stileid.u32  }
0x27: {  	s1 =	rddreg [dreg:$0x1];
	p0 =	sne.s32 s2, $0x0  }
0x28: {  	s3 =	rddreg [dreg:$0x2];
	[bflag:$0x3] =	sbarrier.arrive $0xFFFF;
	s2 =	simm.s32 @!p0 $0x1C02  }
0x29: {  	[timem:s3], [sflag:s2] =	dma.local @!p0 [hbm:s0], s1  }
0x2a: {  	s0 =	simm.s32 @!p0 $0x2  }
0x2b: {  	_ =	swait.ge @!p0 [sflag:s0], s1  }
0x2c: {  	s1 =	ssub.s32 @!p0 $0x0, s1;
	[sflag:s0] =	ssyncset.done @!p0 $0x0  }
0x2d: {  	[sflag:s0] =	ssyncadd.s32 @!p0 s1  }
0x2e: {  	[bflag:$0x3] =	sbarrier.arrive $0xFFFF  }
0x2f: {  	_ =	shalt  }

// kernel: kernel.14.cloned.1.call-start
scs
__scs_entry_jumppad:
0x0: {  	(pc) =	sbr.rel $0x88, $3  }
0x1: {  	(tag) =	ssettag $0x0;
	lr =	simm.s32 $0x1  }
0x2: {  	[smem:$0x3F92] =	sst lr;
	_ =	strace $0xD0000000  }
0x3: {  	_ = 	snop  }
0x4: {  	_ = 	snop  }
0x5: {  	_ = 	snop  }
0x6: {  	_ = 	snop  }
0x7: {  	_ = 	snop  }
__scs_overlays_trampoline_lowered:
0x8: {  	[smem:$0x3FA1] =	sst s0  }
0x9: {  	[smem:$0x3FA2] =	sst s1  }
0xa: {  	[smem:$0x3FA3] =	sst s2  }
0xb: {  	[smem:$0x3FA4] =	sst s3  }
0xc: {  	[smem:$0x3FA5] =	sst s4  }
0xd: {  	[smem:$0x3FA6] =	sst s5  }
0xe: {  	[smem:$0x3FA7] =	sst s6  }
0xf: {  	[smem:$0x3FA8] =	sst s7  }
0x10: {  	[smem:$0x3FA9] =	sst s8  }
0x11: {  	[smem:$0x3FAA] =	sst s9;
	s0 =	simm.s32 @!p0 $0x0  }
0x12: {  	s1 =	sld [smem:$0x3F90];
	s0 =	simm.s32 @p0 $0x1  }
0x13: {  	[smem:$0x3FAB] =	sst s0;
	s0 =	simm.s32 @!p1 $0x0  }
0x14: {  	s2 =	sld [smem:$0x3F8F];
	s0 =	simm.s32 @p1 $0x1  }
0x15: {  	[smem:$0x3FAC] =	sst s0;
	s0 =	simm.s32 @!p2 $0x0  }
0x16: {  	s3 =	sld [smem:$0x3FDB];
	s0 =	simm.s32 @p2 $0x1  }
0x17: {  	s4 =	simm.s32 $0x1BF5;
	[smem:$0x3FAE] =	sst s0  }
0x18: {  	s0 =	sld [smem:$0x3F91];
	_ =	swait.ge [sflag:s4], $0x0  }
0x19: {  	s7 =	sld [smem:$0x3F92]  }
0x1a: {  	s8 =	sadd.s32 $0xFFFFE003, lr  }
0x1b: {  	s9 =	sadd.s32 $0xFFFFFEF7, lr;
	s5 =	simm.s32 $0xFFFFFFFF;
	p2 =	slt.u32 s8, $0xFFFFF086  }
0x1c: {  	p1 =	slt.u32 s9, $0xF7A;
	s5 =	simm.s32 @!p2 $0x0  }
0x1d: {  	s5 =	simm.s32 @p1 $0x1;
	p0 =	seq.s32 s7, s2  }
0x1e: {  	s7 =	smul.u32 @!p0 $0xF7A, s2;
	p2 =	seq.s32 @!p0 s5, $0x0  }
0x1f: {  	s9 =	smul.u32 $0xF7A, s1;
	s8 =	simm.s32 @!p0 $0x1BF5;
	p2 =	por !p2, p0  }
0x20: {  	[sflag:s8] =	ssyncset.s32 @!p0 $0xFFFFF086;
	s6 =	sadd.s32 @!p0 s3, s7;
	s7 =	simm.s32 @!p0 $0x108  }
0x21: {  	s3 =	sadd.s32 s3, s9;
	s6 =	sadd.s32 @!p0 $0x88, s6;
	s7 =	simm.s32 @p2 $0x1082  }
0x22: {  	[simem:s7], [sflag:s8] =	dma.local @!p0 [hbm:s6], $0xF7A  }
0x23: {  	s9 =	sor.u32 $0xD0000000, s2;
	s6 =	simm.s32 $0x108;
	_ =	swait.ge @!p0 [sflag:s8], $0x0  }
0x24: {  	s3 =	sadd.s32 $0x88, s3;
	s6 =	simm.s32 @!p1 $0x1082;
	[sflag:s4] =	ssyncset.s32 $0xFFFFF086  }
0x25: {  	[simem:s6], [sflag:s4] =	dma.local [hbm:s3], $0xF7A  }
0x26: {  	[smem:$0x3F92] =	sst s1;
	(tag) =	ssettag s2;
	_ =	strace s9  }
0x27: {  	s1 =	sld [smem:$0x3FA2]  }
0x28: {  	s2 =	sld [smem:$0x3FA3]  }
0x29: {  	s4 =	sld [smem:$0x3FA5]  }
0x2a: {  	p0 =	seq.s32 s5, $0x0;
	s5 =	sld [smem:$0x3FA6]  }
0x2b: {  	s6 =	sld [smem:$0x3FA7]  }
0x2c: {  	s7 =	sld [smem:$0x3FA8]  }
0x2d: {  	s3 =	simm.s32 $0x108;
	s8 =	sld [smem:$0x3FA9]  }
0x2e: {  	s3 =	simm.s32 @!p0 $0x1082;
	s9 =	sld [smem:$0x3FAA]  }
0x2f: {  	lr =	sadd.s32 s0, s3;
	s0 =	sld [smem:$0x3FA1]  }
0x30: {  	s3 =	sld [smem:$0x3FA4]  }
0x31: {  	[smem:$0x3FAD] =	sst s10  }
0x32: {  	s10 =	sld [smem:$0x3FAB];
	_ =	sdelay $0x3  }
0x33: {  	p0 =	seq.s32 s10, $0x1;
	s10 =	sld [smem:$0x3FAD];
	_ =	sdelay $0x3  }
0x34: {  	[smem:$0x3FAD] =	sst s10  }
0x35: {  	s10 =	sld [smem:$0x3FAC];
	_ =	sdelay $0x3  }
0x36: {  	p1 =	seq.s32 s10, $0x1;
	s10 =	sld [smem:$0x3FAD];
	_ =	sdelay $0x3  }
0x37: {  	[smem:$0x3FAD] =	sst s10  }
0x38: {  	s10 =	sld [smem:$0x3FAE]  }
0x39: {  	_ = 	snop;
	(pc) =	sbr.ind lr, $3  }
0x3a: {  	_ = 	snop  }
0x3b: {  	_ = 	snop  }
0x3c: {  	p2 =	seq.s32 s10, $0x1;
	s10 =	sld [smem:$0x3FAD]  }
0x3d: {  	_ =	shalt  }
0x3e: {  	_ =	shalt  }
0x3f: {  	_ =	shalt  }
0x40: {  	_ =	shalt  }
0x41: {  	_ =	shalt  }
0x42: {  	_ =	shalt  }
0x43: {  	_ =	shalt  }
0x44: {  	_ =	shalt  }
0x45: {  	_ =	shalt  }
0x46: {  	_ =	shalt  }
0x47: {  	_ =	shalt  }
0x48: {  	_ =	shalt  }
0x49: {  	_ =	shalt  }
0x4a: {  	_ =	shalt  }
0x4b: {  	_ =	shalt  }
0x4c: {  	_ =	shalt  }
0x4d: {  	_ =	shalt  }
0x4e: {  	_ =	shalt  }
0x4f: {  	_ =	shalt  }
0x50: {  	_ =	shalt  }
0x51: {  	_ =	shalt  }
0x52: {  	_ =	shalt  }
0x53: {  	_ =	shalt  }
0x54: {  	_ =	shalt  }
0x55: {  	_ =	shalt  }
0x56: {  	_ =	shalt  }
0x57: {  	_ =	shalt  }
0x58: {  	_ =	shalt  }
0x59: {  	_ =	shalt  }
0x5a: {  	_ =	shalt  }
0x5b: {  	_ =	shalt  }
0x5c: {  	_ =	shalt  }
0x5d: {  	_ =	shalt  }
0x5e: {  	_ =	shalt  }
0x5f: {  	_ =	shalt  }
0x60: {  	_ =	shalt  }
0x61: {  	_ =	shalt  }
0x62: {  	_ =	shalt  }
0x63: {  	_ =	shalt  }
0x64: {  	_ =	shalt  }
0x65: {  	_ =	shalt  }
0x66: {  	_ =	shalt  }
0x67: {  	_ =	shalt  }
0x68: {  	_ =	shalt  }
0x69: {  	_ =	shalt  }
0x6a: {  	_ =	shalt  }
0x6b: {  	_ =	shalt  }
0x6c: {  	_ =	shalt  }
0x6d: {  	_ =	shalt  }
0x6e: {  	_ =	shalt  }
0x6f: {  	_ =	shalt  }
0x70: {  	_ =	shalt  }
0x71: {  	_ =	shalt  }
0x72: {  	_ =	shalt  }
0x73: {  	_ =	shalt  }
0x74: {  	_ =	shalt  }
0x75: {  	_ =	shalt  }
0x76: {  	_ =	shalt  }
0x77: {  	_ =	shalt  }
0x78: {  	_ =	shalt  }
0x79: {  	_ =	shalt  }
0x7a: {  	_ =	shalt  }
0x7b: {  	_ =	shalt  }
0x7c: {  	_ =	shalt  }
0x7d: {  	_ =	shalt  }
0x7e: {  	_ =	shalt  }
0x7f: {  	_ =	shalt  }
0x80: {  	_ =	shalt  }
0x81: {  	_ =	shalt  }
0x82: {  	_ =	shalt  }
0x83: {  	_ =	shalt  }
0x84: {  	_ =	shalt  }
0x85: {  	_ =	shalt  }
0x86: {  	_ =	shalt  }
0x87: {  	_ =	shalt  }
.Lfunc_end0:
.L_simem_size_0:
called_computation.1_lowered:
.L_overlay_start_0:
0x88: {  	s2 =	sld [smem:$0x3FD9]  }
0x89: {  	s3 =	sld [smem:$0x3FFE];
	_ =	sdelay $0x1  }
0x8a: {  	s1 =	srdreg.scid  }
0x8b: {  	s0 =	sand.u32 $0x1, s1  }
0x8c: {  	s16 =	sshll.u32 s0, $0xA;
	s2 =	sadd.s32 s3, s2  }
0x8d: {  	s2 =	sadd.s32 s2, s16  }
0x8e: {  	[smem:$0x3FB9] =	sst s2  }
0x8f: {  	_ = 	snop  }
0x90: {  	(tm) =	ssettm $0x1  }
0x91: {  	s17 =	sld [smem:$0x3FFB];
	_ =	sdelay $0x3  }
0x92: {  	_ =	strace s17  }
0x93: {  	s2 =	sld [smem:$0x3FFC];
	_ =	sdelay $0x3  }
0x94: {  	_ =	strace s2  }
0x95: {  	s2 =	sld [smem:$0x3FFD];
	_ =	sdelay $0x3  }
0x96: {  	_ =	strace s2  }
0x97: {  	_ =	strace $0x8FFFFFFF  }
0x98: {  	s18 =	sld [smem:$0x3FDB];
	_ =	sdelay $0x1  }
0x99: {  	s19 =	simm.s32 $_scs_section_size  }
0x9a: {  	s4 =	simm.s32 $_size__tile_overlayer_lowered;
	s5 =	simm.s32 $_tile_overlayer_lowered  }
0x9b: {  	s22 =	simm.s32 $0x1BFF;
	s21 =	sshll.u32 s5, $0x1;
	s2 =	sadd.s32 s19, s18  }
0x9c: {  	s6 =	simm.s32 $0x0;
	s20 =	sshll.u32 s4, $0x1;
	s4 =	sadd.s32 s21, s2  }
0x9d: {  	[timem:s6], [sflag:s22] =	dma.local [hbm:s4], s20  }
0x9e: {  	_ =	swait.ge [sflag:s22], s20  }
0x9f: {  	s3 =	ssub.s32 $0x0, s20;
	[sflag:s22] =	ssyncset.done $0x0  }
0xa0: {  	[sflag:s22] =	ssyncadd.s32 s3;
	_ =	sdelay $0x1  }
0xa1: {  	s23 =	simm.s32 $0x1B8B  }
0xa2: {  	_ =	swait.ge [sflag:s23], $0x1  }
0xa3: {  	[sflag:s23] =	ssyncset.done $0x0  }
0xa4: {  	s25 =	simm.s32 $0x1B8E;
	s24 =	sld [smem:$0x3FFE];
	[sflag:s23] =	ssyncadd.s32 $0xFFFFFFFF  }
0xa5: {  	s26 =	simm.s32 $execute0_lowered;
	[smem:$0x3FD2] =	sst s25  }
0xa6: {  	s4 =	sshll.u32 s26, $0x1;
	_ =	strace $0x80000049;
	[dreg:$0x1] =	wrdreg $0xFFFFFFFF  }
0xa7: {  	s28 =	simm.s32 $_size_execute0_lowered;
	s2 =	sadd.s32 s2, s4;
	[dreg:$0x0] =	wrdreg $0x0  }
0xa8: {  	s4 =	sshll.u32 s28, $0x1;
	[dreg:$0x2] =	wrdreg s2  }
0xa9: {  	[dreg:$0x3] =	wrdreg s4  }
0xaa: {  	[dreg:$0x4] =	wrdreg $0xC0  }
0xab: {  	_ =	task [dreg:s6], $0x5FFFF  }
0xac: {  	[dreg:$0x1] =	wrdreg $0xFFFFFFFF  }
0xad: {  	[dreg:$0x0] =	wrdreg $0x60  }
0xae: {  	[dreg:$0x2] =	wrdreg s24  }
0xaf: {  	[dreg:$0x3] =	wrdreg $0x9  }
0xb0: {  	_ =	task.clear_ibuf [dreg:s6], $0x4FFFF;
	_ =	strace $0x90000049  }
0xb1: {  	s29 =	simm.s32 $0x9;
	_ =	strace $0x8000004B  }
0xb2: {  	_ =	swait.ge [sflag:s29], $0x1  }
0xb3: {  	[sflag:s29] =	ssyncadd.s32 $0xFFFFFFFF  }
0xb4: {  	_ =	strace $0x9000004B  }
0xb5: {  	_ =	sfence  }
0xb6: {  	s30 =	sld [smem:$0x0];
	_ =	sdelay $0x2  }
0xb7: {  	s31 =	sshll.u32 s1, $0xD;
	s1 =	sshrl.u32 s1, $0x2  }
0xb8: {  	s3 =	sand.u32 $0x4000, s31;
	s1 =	sadd.s32 s1, s30  }
0xb9: {  	s0 =	sor.u32 s3, s0;
	s1 =	sshll.u32 s1, $0x11  }
0xba: {  	s0 =	sor.u32 s1, s0  }
0xbb: {  	s0 =	sadd.s32 $0x8F2B, s0  }
0xbc: {  	[sflag:s0] =	ssyncadd.remote.s32 $0x1  }
0xbd: {  	_ =	sfence.sel $0xFFFF  }
0xbe: {  	[dreg:$0x0] =	wrdreg $0xFFFFFFFF;
	(pc) =	sbr.abs _section_cstart, $3  }
0xbf: {  	[dreg:$0x1] =	wrdreg $0xFFFFFFFF  }
0xc0: {  	_ =	task.clear_ibuf [dreg:s6], $0x2FFFF;
	_ =	strace $0x9FFFFFFF  }
0xc1: {  	(tm) =	ssettm $0x7FFFFFFF  }
tec
execute0_lowered:
.L_overlay_start_1:
0x0: {  	(tag) =	ssettag $0x1  }
0x1: {  	s4 =	rddreg [dreg:$0x0]  }
0x2: {  	s0 =	rddreg [dreg:$0x1];
	s2 =	simm.s32 $0x0;
	s3 =	srdreg.scid  }
0x3: {  	s1 =	stileid.u32;
	s10 =	simm.s32 $0x0;
	[smem:$0x7FF] =	sst s2  }
0x4: {  	s5 =	sand.u32 $0x1, s3;
	s6 =	sshll.u32 s1, $0xD;
	s3 =	sadd.s32 $0x3600, s4  }
0x5: {  	s8 =	sshll.u32 s1, $0x11;
	_ =	strace $0x8000004A;
	s7 =	sshll.u32 s5, $0xC  }
0x6: {  	s31 =	ssub.s32 $0x2, s5;
	s8 =	sadd.s32 s8, s4;
	s5 =	sshll.u32 s5, $0x10  }
0x7: {  	s6 =	sor.u32 s7, s6;
	s9 =	sshrl.u32 s31, $0x1;
	s5 =	sadd.s32 s5, s8  }
0x8: {  	s8 =	simm.s32 $0x80;
	s6 =	sshrl.u32 s6, $0x3;
	s7 =	ssub.s32 s31, s9  }
0x9: {  	s5 =	sadd.s32 $0x47600, s5;
	s9 =	simm.s32 $0x1;
	s6 =	sadd.s32 s6, s4  }
0xa: {  	s4 =	smax.u32 s7, $0x1;
	s7 =	simm.s32 $0x2;
	s6 =	sadd.s32 $0x43600, s6  }
.LBB2_1:
0xb: {  	s11 =	sadd.s32 $0x0, s6  }
0xc: {  	[tilespmem:s2], [sflag:$0x2] =	stream.linear.gather [hbm4b:s11+s2], $0x80, $0x38;
	[tilespmem:$0x4080] =	vst v63  }
0xd: {  	_ =	swait.ge [sflag:s7], $0x80  }
0xe: {  	[sflag:s7] =	ssyncset.done $0x0  }
0xf: {  	[sflag:s7] =	ssyncadd.s32 $0xFFFFFF80  }
0x10: {  	[tilespmem:s8], [sflag:$0x1] =	stream.indirect.gather [hbm4b:s3+s8], $0x80, s2, s8, $0xb8;
	[tilespmem:$0x4080] =	vst v63  }
0x11: {  	_ =	swait.ge [sflag:s9], $0x4000  }
0x12: {  	[sflag:s9] =	ssyncset.done $0x0  }
0x13: {  	[sflag:s9] =	ssyncadd.s32 $0xFFFFC000  }
0x14: {  	[hbm4b:s5+s2] =	stream.linear.scatter [tilespmem:s8], [sflag:$0x2], $0x4000, $0x38;
	[tilespmem:$0x4080] =	vst v63  }
0x15: {  	s12 =	simm.s32 $0x10;
	_ =	swait.ge [sflag:s7], $0x4000  }
0x16: {  	s13 =	simm.s32 $0x20;
	s11 =	sadd.s32 $0x800, s5;
	[sflag:s7] =	ssyncset.done $0x0  }
.LBB2_2:
0x17: {  	s14 =	sadd.s32 s12, s6  }
0x18: {  	[sflag:s7] =	ssyncadd.s32 $0xFFFFC000;
	s12 =	smov.u32 s13;
	s15 =	sadd.s32 $0x10, s13  }
0x19: {  	[tilespmem:s2], [sflag:$0x2] =	stream.linear.gather [hbm4b:s14+s2], $0x80, $0x38;
	[tilespmem:$0x4080] =	vst v63  }
0x1a: {  	p0 =	sne.s32 s13, $0x1F0;
	_ =	swait.ge [sflag:s7], $0x80  }
0x1b: {  	[sflag:s7] =	ssyncset.done $0x0  }
0x1c: {  	[sflag:s7] =	ssyncadd.s32 $0xFFFFFF80  }
0x1d: {  	[tilespmem:s8], [sflag:$0x1] =	stream.indirect.gather [hbm4b:s3+s8], $0x80, s2, s8, $0xb8;
	[tilespmem:$0x4080] =	vst v63  }
0x1e: {  	_ =	swait.ge [sflag:s9], $0x4000  }
.Ltmp0:
0x1f: {  	[sflag:s9] =	ssyncset.done $0x0;
	(pc) =	sbr.rel @p0 .LBB2_2-.Ltmp0, $4  }
0x20: {  	[sflag:s9] =	ssyncadd.s32 $0xFFFFC000  }
0x21: {  	[hbm4b:s11+s2] =	stream.linear.scatter [tilespmem:s8], [sflag:$0x2], $0x4000, $0x38;
	[tilespmem:$0x4080] =	vst v63  }
0x22: {  	_ =	swait.ge [sflag:s7], $0x4000  }
0x23: {  	s13 =	smov.u32 s15;
	s11 =	sadd.s32 $0x800, s11;
	[sflag:s7] =	ssyncset.done $0x0  }
0x24: {  	s12 =	sadd.s32 s12, s6;
	[sflag:s7] =	ssyncadd.s32 $0xFFFFC000  }
0x25: {  	[tilespmem:s2], [sflag:$0x2] =	stream.linear.gather [hbm4b:s12+s2], $0x80, $0x38;
	[tilespmem:$0x4080] =	vst v63  }
0x26: {  	_ =	swait.ge [sflag:s7], $0x80  }
0x27: {  	[sflag:s7] =	ssyncset.done $0x0  }
0x28: {  	[sflag:s7] =	ssyncadd.s32 $0xFFFFFF80  }
0x29: {  	[tilespmem:s8], [sflag:$0x1] =	stream.indirect.gather [hbm4b:s3+s8], $0x80, s2, s8, $0xb8;
	[tilespmem:$0x4080] =	vst v63  }
0x2a: {  	s10 =	sadd.s32 $0x1, s10;
	_ =	swait.ge [sflag:s9], $0x4000  }
0x2b: {  	p0 =	sne.s32 s10, s4;
	[sflag:s9] =	ssyncset.done $0x0  }
.Ltmp1:
0x2c: {  	[sflag:s9] =	ssyncadd.s32 $0xFFFFC000;
	(pc) =	sbr.rel @p0 .LBB2_1-.Ltmp1, $4  }
0x2d: {  	[hbm4b:s11+s2] =	stream.linear.scatter [tilespmem:s8], [sflag:$0x2], $0x4000, $0x38;
	[tilespmem:$0x4080] =	vst v63  }
0x2e: {  	_ =	swait.ge [sflag:s7], $0x4000  }
0x2f: {  	[sflag:s7] =	ssyncset.done $0x0  }
0x30: {  	[sflag:s7] =	ssyncadd.s32 $0xFFFFC000  }
0x31: {  	_ =	sfence.sel $0x180000  }
0x32: {  	[bflag:$0x0] =	sbarrier.arrive $0xFFFF  }
0x33: {  	p0 =	sne.s32 s1, $0x0;
	_ =	strace $0x9000004A  }
0x34: {  	s0 =	sadd.s32 @!p0 $0x100000, s0;
	[bflag:$0x2] =	sbarrier.arrive $0xFFFF  }
0x35: {  	[sflag:s0] =	ssyncadd.tile.s32 @!p0 $0x1;
	_ =	shalt  }
.Lfunc_end2:
_tile_overlayer_lowered:
.L_overlay_start_2:
0x36: {  	(tag) =	ssettag $0x2  }
0x37: {  	s0 =	rddreg [dreg:$0x0];
	s2 =	stileid.u32  }
0x38: {  	s1 =	rddreg [dreg:$0x1];
	p0 =	sne.s32 s2, $0x0  }
0x39: {  	s3 =	rddreg [dreg:$0x2];
	[bflag:$0x3] =	sbarrier.arrive $0xFFFF;
	s2 =	simm.s32 @!p0 $0x1C02  }
0x3a: {  	[timem:s3], [sflag:s2] =	dma.local @!p0 [hbm:s0], s1  }
0x3b: {  	s0 =	simm.s32 @!p0 $0x2  }
0x3c: {  	_ =	swait.ge @!p0 [sflag:s0], s1  }
0x3d: {  	s1 =	ssub.s32 @!p0 $0x0, s1;
	[sflag:s0] =	ssyncset.done @!p0 $0x0  }
0x3e: {  	[sflag:s0] =	ssyncadd.s32 @!p0 s1  }
0x3f: {  	[bflag:$0x3] =	sbarrier.arrive $0xFFFF  }
0x40: {  	_ =	shalt  }

// kernel: kernel.17.cloned.1.call-start
scs
__scs_entry_jumppad:
0x0: {  	(pc) =	sbr.rel $0x88, $3  }
0x1: {  	(tag) =	ssettag $0x0;
	lr =	simm.s32 $0x1  }
0x2: {  	[smem:$0x3F92] =	sst lr;
	_ =	strace $0xD0000000  }
0x3: {  	_ = 	snop  }
0x4: {  	_ = 	snop  }
0x5: {  	_ = 	snop  }
0x6: {  	_ = 	snop  }
0x7: {  	_ = 	snop  }
__scs_overlays_trampoline_lowered:
0x8: {  	[smem:$0x3FA1] =	sst s0  }
0x9: {  	[smem:$0x3FA2] =	sst s1  }
0xa: {  	[smem:$0x3FA3] =	sst s2  }
0xb: {  	[smem:$0x3FA4] =	sst s3  }
0xc: {  	[smem:$0x3FA5] =	sst s4  }
0xd: {  	[smem:$0x3FA6] =	sst s5  }
0xe: {  	[smem:$0x3FA7] =	sst s6  }
0xf: {  	[smem:$0x3FA8] =	sst s7  }
0x10: {  	[smem:$0x3FA9] =	sst s8  }
0x11: {  	[smem:$0x3FAA] =	sst s9;
	s0 =	simm.s32 @!p0 $0x0  }
0x12: {  	s1 =	sld [smem:$0x3F90];
	s0 =	simm.s32 @p0 $0x1  }
0x13: {  	[smem:$0x3FAB] =	sst s0;
	s0 =	simm.s32 @!p1 $0x0  }
0x14: {  	s2 =	sld [smem:$0x3F8F];
	s0 =	simm.s32 @p1 $0x1  }
0x15: {  	[smem:$0x3FAC] =	sst s0;
	s0 =	simm.s32 @!p2 $0x0  }
0x16: {  	s3 =	sld [smem:$0x3FDB];
	s0 =	simm.s32 @p2 $0x1  }
0x17: {  	s4 =	simm.s32 $0x1BF5;
	[smem:$0x3FAE] =	sst s0  }
0x18: {  	s0 =	sld [smem:$0x3F91];
	_ =	swait.ge [sflag:s4], $0x0  }
0x19: {  	s7 =	sld [smem:$0x3F92]  }
0x1a: {  	s8 =	sadd.s32 $0xFFFFE003, lr  }
0x1b: {  	s9 =	sadd.s32 $0xFFFFFEF7, lr;
	s5 =	simm.s32 $0xFFFFFFFF;
	p2 =	slt.u32 s8, $0xFFFFF086  }
0x1c: {  	p1 =	slt.u32 s9, $0xF7A;
	s5 =	simm.s32 @!p2 $0x0  }
0x1d: {  	s5 =	simm.s32 @p1 $0x1;
	p0 =	seq.s32 s7, s2  }
0x1e: {  	s7 =	smul.u32 @!p0 $0xF7A, s2;
	p2 =	seq.s32 @!p0 s5, $0x0  }
0x1f: {  	s9 =	smul.u32 $0xF7A, s1;
	s8 =	simm.s32 @!p0 $0x1BF5;
	p2 =	por !p2, p0  }
0x20: {  	[sflag:s8] =	ssyncset.s32 @!p0 $0xFFFFF086;
	s6 =	sadd.s32 @!p0 s3, s7;
	s7 =	simm.s32 @!p0 $0x108  }
0x21: {  	s3 =	sadd.s32 s3, s9;
	s6 =	sadd.s32 @!p0 $0x88, s6;
	s7 =	simm.s32 @p2 $0x1082  }
0x22: {  	[simem:s7], [sflag:s8] =	dma.local @!p0 [hbm:s6], $0xF7A  }
0x23: {  	s9 =	sor.u32 $0xD0000000, s2;
	s6 =	simm.s32 $0x108;
	_ =	swait.ge @!p0 [sflag:s8], $0x0  }
0x24: {  	s3 =	sadd.s32 $0x88, s3;
	s6 =	simm.s32 @!p1 $0x1082;
	[sflag:s4] =	ssyncset.s32 $0xFFFFF086  }
0x25: {  	[simem:s6], [sflag:s4] =	dma.local [hbm:s3], $0xF7A  }
0x26: {  	[smem:$0x3F92] =	sst s1;
	(tag) =	ssettag s2;
	_ =	strace s9  }
0x27: {  	s1 =	sld [smem:$0x3FA2]  }
0x28: {  	s2 =	sld [smem:$0x3FA3]  }
0x29: {  	s4 =	sld [smem:$0x3FA5]  }
0x2a: {  	p0 =	seq.s32 s5, $0x0;
	s5 =	sld [smem:$0x3FA6]  }
0x2b: {  	s6 =	sld [smem:$0x3FA7]  }
0x2c: {  	s7 =	sld [smem:$0x3FA8]  }
0x2d: {  	s3 =	simm.s32 $0x108;
	s8 =	sld [smem:$0x3FA9]  }
0x2e: {  	s3 =	simm.s32 @!p0 $0x1082;
	s9 =	sld [smem:$0x3FAA]  }
0x2f: {  	lr =	sadd.s32 s0, s3;
	s0 =	sld [smem:$0x3FA1]  }
0x30: {  	s3 =	sld [smem:$0x3FA4]  }
0x31: {  	[smem:$0x3FAD] =	sst s10  }
0x32: {  	s10 =	sld [smem:$0x3FAB];
	_ =	sdelay $0x3  }
0x33: {  	p0 =	seq.s32 s10, $0x1;
	s10 =	sld [smem:$0x3FAD];
	_ =	sdelay $0x3  }
0x34: {  	[smem:$0x3FAD] =	sst s10  }
0x35: {  	s10 =	sld [smem:$0x3FAC];
	_ =	sdelay $0x3  }
0x36: {  	p1 =	seq.s32 s10, $0x1;
	s10 =	sld [smem:$0x3FAD];
	_ =	sdelay $0x3  }
0x37: {  	[smem:$0x3FAD] =	sst s10  }
0x38: {  	s10 =	sld [smem:$0x3FAE]  }
0x39: {  	_ = 	snop;
	(pc) =	sbr.ind lr, $3  }
0x3a: {  	_ = 	snop  }
0x3b: {  	_ = 	snop  }
0x3c: {  	p2 =	seq.s32 s10, $0x1;
	s10 =	sld [smem:$0x3FAD]  }
0x3d: {  	_ =	shalt  }
0x3e: {  	_ =	shalt  }
0x3f: {  	_ =	shalt  }
0x40: {  	_ =	shalt  }
0x41: {  	_ =	shalt  }
0x42: {  	_ =	shalt  }
0x43: {  	_ =	shalt  }
0x44: {  	_ =	shalt  }
0x45: {  	_ =	shalt  }
0x46: {  	_ =	shalt  }
0x47: {  	_ =	shalt  }
0x48: {  	_ =	shalt  }
0x49: {  	_ =	shalt  }
0x4a: {  	_ =	shalt  }
0x4b: {  	_ =	shalt  }
0x4c: {  	_ =	shalt  }
0x4d: {  	_ =	shalt  }
0x4e: {  	_ =	shalt  }
0x4f: {  	_ =	shalt  }
0x50: {  	_ =	shalt  }
0x51: {  	_ =	shalt  }
0x52: {  	_ =	shalt  }
0x53: {  	_ =	shalt  }
0x54: {  	_ =	shalt  }
0x55: {  	_ =	shalt  }
0x56: {  	_ =	shalt  }
0x57: {  	_ =	shalt  }
0x58: {  	_ =	shalt  }
0x59: {  	_ =	shalt  }
0x5a: {  	_ =	shalt  }
0x5b: {  	_ =	shalt  }
0x5c: {  	_ =	shalt  }
0x5d: {  	_ =	shalt  }
0x5e: {  	_ =	shalt  }
0x5f: {  	_ =	shalt  }
0x60: {  	_ =	shalt  }
0x61: {  	_ =	shalt  }
0x62: {  	_ =	shalt  }
0x63: {  	_ =	shalt  }
0x64: {  	_ =	shalt  }
0x65: {  	_ =	shalt  }
0x66: {  	_ =	shalt  }
0x67: {  	_ =	shalt  }
0x68: {  	_ =	shalt  }
0x69: {  	_ =	shalt  }
0x6a: {  	_ =	shalt  }
0x6b: {  	_ =	shalt  }
0x6c: {  	_ =	shalt  }
0x6d: {  	_ =	shalt  }
0x6e: {  	_ =	shalt  }
0x6f: {  	_ =	shalt  }
0x70: {  	_ =	shalt  }
0x71: {  	_ =	shalt  }
0x72: {  	_ =	shalt  }
0x73: {  	_ =	shalt  }
0x74: {  	_ =	shalt  }
0x75: {  	_ =	shalt  }
0x76: {  	_ =	shalt  }
0x77: {  	_ =	shalt  }
0x78: {  	_ =	shalt  }
0x79: {  	_ =	shalt  }
0x7a: {  	_ =	shalt  }
0x7b: {  	_ =	shalt  }
0x7c: {  	_ =	shalt  }
0x7d: {  	_ =	shalt  }
0x7e: {  	_ =	shalt  }
0x7f: {  	_ =	shalt  }
0x80: {  	_ =	shalt  }
0x81: {  	_ =	shalt  }
0x82: {  	_ =	shalt  }
0x83: {  	_ =	shalt  }
0x84: {  	_ =	shalt  }
0x85: {  	_ =	shalt  }
0x86: {  	_ =	shalt  }
0x87: {  	_ =	shalt  }
.Lfunc_end0:
.L_simem_size_0:
called_computation.2_lowered:
.L_overlay_start_0:
0x88: {  	s2 =	sld [smem:$0x3FD9]  }
0x89: {  	s3 =	sld [smem:$0x3FFE];
	_ =	sdelay $0x1  }
0x8a: {  	s1 =	srdreg.scid  }
0x8b: {  	s0 =	sand.u32 $0x1, s1  }
0x8c: {  	s17 =	sshll.u32 s0, $0xA;
	s2 =	sadd.s32 s3, s2  }
0x8d: {  	s2 =	sadd.s32 s2, s17  }
0x8e: {  	[smem:$0x3FB9] =	sst s2  }
0x8f: {  	_ = 	snop  }
0x90: {  	(tm) =	ssettm $0x1  }
0x91: {  	s18 =	sld [smem:$0x3FFB];
	_ =	sdelay $0x3  }
0x92: {  	_ =	strace s18  }
0x93: {  	s2 =	sld [smem:$0x3FFC];
	_ =	sdelay $0x3  }
0x94: {  	_ =	strace s2  }
0x95: {  	s2 =	sld [smem:$0x3FFD];
	_ =	sdelay $0x3  }
0x96: {  	_ =	strace s2  }
0x97: {  	_ =	strace $0x8FFFFFFF  }
0x98: {  	s19 =	sld [smem:$0x3FDB];
	_ =	sdelay $0x1  }
0x99: {  	s20 =	simm.s32 $_scs_section_size  }
0x9a: {  	s4 =	simm.s32 $_size__tile_overlayer_lowered;
	s5 =	simm.s32 $_tile_overlayer_lowered  }
0x9b: {  	s6 =	simm.s32 $0x1BFF;
	s21 =	sshll.u32 s5, $0x1;
	s3 =	sadd.s32 s20, s19  }
0x9c: {  	s22 =	simm.s32 $0x0;
	s4 =	sshll.u32 s4, $0x1;
	s5 =	sadd.s32 s21, s3  }
0x9d: {  	[timem:s22], [sflag:s6] =	dma.local [hbm:s5], s4  }
0x9e: {  	_ =	swait.ge [sflag:s6], s4  }
0x9f: {  	s4 =	ssub.s32 $0x0, s4;
	[sflag:s6] =	ssyncset.done $0x0  }
0xa0: {  	[sflag:s6] =	ssyncadd.s32 s4;
	_ =	sdelay $0x1  }
0xa1: {  	s23 =	simm.s32 $0x1B8B  }
0xa2: {  	_ =	swait.ge [sflag:s23], $0x1  }
0xa3: {  	[sflag:s23] =	ssyncset.done $0x0  }
0xa4: {  	[sflag:s23] =	ssyncadd.s32 $0xFFFFFFFF  }
0xa5: {  	s4 =	sld [smem:$0x0]  }
0xa6: {  	s5 =	sand.u32 $0xFFFFFFFE, s1  }
0xa7: {  	p0 =	sne.s32 s1, s5  }
0xa8: {  	s5 =	sshll.u32 @p0 s5, $0xE  }
0xa9: {  	s5 =	sadd.s32 @p0 $0x11B8D, s5;
	s6 =	sshll.u32 @p0 s4, $0x11  }
0xaa: {  	s5 =	sor.u32 @p0 s6, s5  }
0xab: {  	[sflag:s5] =	ssyncadd.remote.s32 @p0 $0x1;
	_ =	sdelay $0x1  }
0xac: {  	s5 =	simm.s32 @p0 $0x1B8D  }
0xad: {  	_ =	swait.eq @p0 [sflag:s5], $0x1  }
0xae: {  	[sflag:s5] =	ssyncadd.s32 @p0 $0xFFFFFFFF  }
0xaf: {  	s6 =	sshll.u32 @!p0 s1, $0xE  }
0xb0: {  	s6 =	sor.u32 @!p0 $0x4000, s6;
	s5 =	simm.s32 @!p0 $0x1B8D  }
0xb1: {  	s4 =	sshll.u32 @!p0 s4, $0x11;
	s6 =	sadd.s32 @!p0 $0x11B8D, s6;
	_ =	swait.eq @!p0 [sflag:s5], $0x1  }
0xb2: {  	s4 =	sor.u32 @!p0 s4, s6;
	[sflag:s5] =	ssyncadd.s32 @!p0 $0xFFFFFFFF  }
0xb3: {  	s25 =	simm.s32 $0x1B8E;
	s24 =	sld [smem:$0x3FFE];
	[sflag:s4] =	ssyncadd.remote.s32 @!p0 $0x1  }
0xb4: {  	s26 =	simm.s32 $execute0_lowered;
	[smem:$0x3FD2] =	sst s25  }
0xb5: {  	s5 =	sshll.u32 s26, $0x1;
	_ =	strace $0x8000004C;
	[dreg:$0x1] =	wrdreg $0xFFFFFFFF  }
0xb6: {  	s28 =	simm.s32 $_size_execute0_lowered;
	s3 =	sadd.s32 s3, s5;
	[dreg:$0x0] =	wrdreg $0x0  }
0xb7: {  	s5 =	sshll.u32 s28, $0x1;
	[dreg:$0x2] =	wrdreg s3  }
0xb8: {  	[dreg:$0x3] =	wrdreg s5  }
0xb9: {  	[dreg:$0x4] =	wrdreg $0xC0  }
0xba: {  	_ =	task [dreg:s22], $0x5FFFF  }
0xbb: {  	[dreg:$0x1] =	wrdreg $0xFFFFFFFF  }
0xbc: {  	[dreg:$0x0] =	wrdreg $0x60  }
0xbd: {  	[dreg:$0x2] =	wrdreg s24  }
0xbe: {  	[dreg:$0x3] =	wrdreg $0xA  }
0xbf: {  	_ =	task.clear_ibuf [dreg:s22], $0x4FFFF;
	_ =	strace $0x9000004C  }
0xc0: {  	s29 =	simm.s32 $0xA;
	_ =	strace $0x8000004E  }
0xc1: {  	_ =	swait.ge [sflag:s29], $0x1  }
0xc2: {  	[sflag:s29] =	ssyncadd.s32 $0xFFFFFFFF  }
0xc3: {  	_ =	strace $0x9000004E  }
0xc4: {  	_ =	sfence  }
0xc5: {  	s30 =	sld [smem:$0x0];
	_ =	sdelay $0x2  }
0xc6: {  	s31 =	sshll.u32 s1, $0xD;
	s1 =	sshrl.u32 s1, $0x2  }
0xc7: {  	s4 =	sand.u32 $0x4000, s31;
	s1 =	sadd.s32 s1, s30  }
0xc8: {  	s0 =	sor.u32 s4, s0;
	s1 =	sshll.u32 s1, $0x11  }
0xc9: {  	s0 =	sor.u32 s1, s0  }
0xca: {  	s0 =	sadd.s32 $0x8F2B, s0  }
0xcb: {  	[sflag:s0] =	ssyncadd.remote.s32 $0x1  }
0xcc: {  	_ =	sfence.sel $0xFFFF  }
0xcd: {  	[dreg:$0x0] =	wrdreg $0xFFFFFFFF;
	(pc) =	sbr.abs _section_cstart, $3  }
0xce: {  	[dreg:$0x1] =	wrdreg $0xFFFFFFFF  }
0xcf: {  	_ =	task.clear_ibuf [dreg:s22], $0x2FFFF;
	_ =	strace $0x9FFFFFFF  }
0xd0: {  	(tm) =	ssettm $0x7FFFFFFF  }
0xd1: {  	_ =	shalt  }
tec
execute0_lowered:
.L_overlay_start_1:
0x0: {  	(tag) =	ssettag $0x1  }
0x1: {  	s4 =	rddreg [dreg:$0x0]  }
0x2: {  	s0 =	rddreg [dreg:$0x1];
	s2 =	simm.s32 $0x0;
	s3 =	srdreg.scid  }
0x3: {  	s1 =	stileid.u32;
	s10 =	simm.s32 $0x1080;
	s11 =	simm.s32 $0x1880  }
0x4: {  	s12 =	simm.s32 $0x2080;
	s13 =	simm.s32 $0x2880;
	s14 =	simm.s32 $0x3080  }
0x5: {  	s15 =	simm.s32 $0x3880;
	s16 =	simm.s32 $0x4080;
	s17 =	simm.s32 $0x4880  }
0x6: {  	s18 =	simm.s32 $0x5080;
	s19 =	simm.s32 $0x5880;
	s20 =	simm.s32 $0x6080  }
0x7: {  	s21 =	simm.s32 $0x6880;
	s22 =	simm.s32 $0x7080;
	s23 =	simm.s32 $0x7880  }
0x8: {  	s24 =	simm.s32 $0x1;
	s25 =	simm.s32 $0x0;
	[smem:$0x7FF] =	sst s2  }
0x9: {  	s5 =	sand.u32 $0x1, s3;
	s6 =	sshll.u32 s1, $0xD;
	s3 =	sadd.s32 $0x247600, s4  }
0xa: {  	s8 =	sshll.u32 s1, $0x12;
	_ =	strace $0x8000004D;
	s7 =	sshll.u32 s5, $0xC  }
0xb: {  	s31 =	ssub.s32 $0x2, s5;
	s8 =	sadd.s32 s8, s4;
	s5 =	sshll.u32 s5, $0x11  }
0xc: {  	s6 =	sor.u32 s7, s6;
	s9 =	sshrl.u32 s31, $0x1;
	s5 =	sadd.s32 s5, s8  }
0xd: {  	v2 =	vlaneseq.u32;
	s8 =	simm.s32 $0x80;
	s6 =	sshrl.u32 s6, $0x3;
	s7 =	ssub.s32 s31, s9  }
0xe: {  	vm0 =	vmmov $0xffff;
	v1 =	vshrl.u32 v2, $0x3;
	s5 =	sadd.s32 $0x2C7600, s5;
	s9 =	simm.s32 $0x880;
	s6 =	sadd.s32 s6, s4  }
0xf: {  	v0 =	vand.u32 $0x7, v2;
	v2 =	vor.u32 $0x8, v2;
	v1 =	vmul.u32 $0x8, v1;
	s4 =	smax.u32 s7, $0x1;
	s7 =	simm.s32 $0x2;
	s6 =	sadd.s32 $0x43600, s6  }
.LBB2_1:
0x10: {  	s26 =	smov.u32 s5;
	s28 =	simm.s32 $0x0  }
.LBB2_2:
0x11: {  	s29 =	sadd.s32 s28, s6  }
0x12: {  	[tilespmem:s2], [sflag:$0x2] =	stream.linear.gather [hbm4b:s29+s2], $0x80, $0x38;
	[tilespmem:$0x8080] =	vst v63  }
0x13: {  	_ =	swait.ge [sflag:s7], $0x80  }
0x14: {  	[sflag:s7] =	ssyncset.done $0x0  }
0x15: {  	[sflag:s7] =	ssyncadd.s32 $0xFFFFFF80  }
0x16: {  	v3 =	vld [tilespmem:$0x0];
	_ =	sdelay $0x4  }
0x17: {  	v4 =	vshll.u32 v3, $0x1  }
0x18: {  	v3 =	vand.u32 $0x7, v3;
	v4 =	vand.u32 $0xFFFFFFF0, v4  }
0x19: {  	v3 =	vor.u32 v3, v4  }
0x1a: {  	v4 =	vperm.xlane v3, v0;
	_ =	sdelay $0x1  }
0x1b: {  	v3 =	vperm.xlane v3, v2;
	v4 =	vadd.s32 v1, v4;
	_ =	sdelay $0x1  }
0x1c: {  	v3 =	vadd.s32 v1, v3;
	_ =	sdelay $0x2  }
0x1d: {  	[tilespmem:s8], [sflag:$0x1] =	stream.indirect_vreg.gather [hbm4b:s3+s2], $0x80, v4, vm0, $0xb8;
	[tilespmem:$0x8080] =	vst v63  }
0x1e: {  	_ = 	snop  }
0x1f: {  	[tilespmem:s9], [sflag:$0x1] =	stream.indirect_vreg.gather [hbm4b:s3+s2], $0x80, v3, vm0, $0xb8;
	[tilespmem:$0x8080] =	vst v63  }
0x20: {  	v3 =	vld [tilespmem:$0x10];
	_ =	sdelay $0x4  }
0x21: {  	v57 =	vshll.u32 v3, $0x1  }
0x22: {  	v3 =	vand.u32 $0x7, v3;
	v4 =	vand.u32 $0xFFFFFFF0, v57  }
0x23: {  	v3 =	vor.u32 v3, v4  }
0x24: {  	v4 =	vperm.xlane v3, v0;
	_ =	sdelay $0x1  }
0x25: {  	v3 =	vperm.xlane v3, v2;
	v4 =	vadd.s32 v1, v4;
	_ =	sdelay $0x1  }
0x26: {  	v3 =	vadd.s32 v1, v3;
	_ =	sdelay $0x2  }
0x27: {  	[tilespmem:s10], [sflag:$0x1] =	stream.indirect_vreg.gather [hbm4b:s3+s2], $0x80, v4, vm0, $0xb8;
	[tilespmem:$0x8080] =	vst v63  }
0x28: {  	_ = 	snop  }
0x29: {  	[tilespmem:s11], [sflag:$0x1] =	stream.indirect_vreg.gather [hbm4b:s3+s2], $0x80, v3, vm0, $0xb8;
	[tilespmem:$0x8080] =	vst v63  }
0x2a: {  	v3 =	vld [tilespmem:$0x20];
	_ =	sdelay $0x4  }
0x2b: {  	v58 =	vshll.u32 v3, $0x1  }
0x2c: {  	v3 =	vand.u32 $0x7, v3;
	v4 =	vand.u32 $0xFFFFFFF0, v58  }
0x2d: {  	v3 =	vor.u32 v3, v4  }
0x2e: {  	v4 =	vperm.xlane v3, v0;
	_ =	sdelay $0x1  }
0x2f: {  	v3 =	vperm.xlane v3, v2;
	v4 =	vadd.s32 v1, v4;
	_ =	sdelay $0x1  }
0x30: {  	v3 =	vadd.s32 v1, v3;
	_ =	sdelay $0x2  }
0x31: {  	[tilespmem:s12], [sflag:$0x1] =	stream.indirect_vreg.gather [hbm4b:s3+s2], $0x80, v4, vm0, $0xb8;
	[tilespmem:$0x8080] =	vst v63  }
0x32: {  	_ = 	snop  }
0x33: {  	[tilespmem:s13], [sflag:$0x1] =	stream.indirect_vreg.gather [hbm4b:s3+s2], $0x80, v3, vm0, $0xb8;
	[tilespmem:$0x8080] =	vst v63  }
0x34: {  	v3 =	vld [tilespmem:$0x30];
	_ =	sdelay $0x4  }
0x35: {  	v59 =	vshll.u32 v3, $0x1  }
0x36: {  	v3 =	vand.u32 $0x7, v3;
	v4 =	vand.u32 $0xFFFFFFF0, v59  }
0x37: {  	v3 =	vor.u32 v3, v4  }
0x38: {  	v4 =	vperm.xlane v3, v0;
	_ =	sdelay $0x1  }
0x39: {  	v3 =	vperm.xlane v3, v2;
	v4 =	vadd.s32 v1, v4;
	_ =	sdelay $0x1  }
0x3a: {  	v3 =	vadd.s32 v1, v3;
	_ =	sdelay $0x2  }
0x3b: {  	[tilespmem:s14], [sflag:$0x1] =	stream.indirect_vreg.gather [hbm4b:s3+s2], $0x80, v4, vm0, $0xb8;
	[tilespmem:$0x8080] =	vst v63  }
0x3c: {  	_ = 	snop  }
0x3d: {  	[tilespmem:s15], [sflag:$0x1] =	stream.indirect_vreg.gather [hbm4b:s3+s2], $0x80, v3, vm0, $0xb8;
	[tilespmem:$0x8080] =	vst v63  }
0x3e: {  	v3 =	vld [tilespmem:$0x40];
	_ =	sdelay $0x4  }
0x3f: {  	v60 =	vshll.u32 v3, $0x1  }
0x40: {  	v3 =	vand.u32 $0x7, v3;
	v4 =	vand.u32 $0xFFFFFFF0, v60  }
0x41: {  	v3 =	vor.u32 v3, v4  }
0x42: {  	v4 =	vperm.xlane v3, v0;
	_ =	sdelay $0x1  }
0x43: {  	v3 =	vperm.xlane v3, v2;
	v4 =	vadd.s32 v1, v4;
	_ =	sdelay $0x1  }
0x44: {  	v3 =	vadd.s32 v1, v3;
	_ =	sdelay $0x2  }
0x45: {  	[tilespmem:s16], [sflag:$0x1] =	stream.indirect_vreg.gather [hbm4b:s3+s2], $0x80, v4, vm0, $0xb8;
	[tilespmem:$0x8080] =	vst v63  }
0x46: {  	_ = 	snop  }
0x47: {  	[tilespmem:s17], [sflag:$0x1] =	stream.indirect_vreg.gather [hbm4b:s3+s2], $0x80, v3, vm0, $0xb8;
	[tilespmem:$0x8080] =	vst v63  }
0x48: {  	v3 =	vld [tilespmem:$0x50];
	_ =	sdelay $0x4  }
0x49: {  	v61 =	vshll.u32 v3, $0x1  }
0x4a: {  	v3 =	vand.u32 $0x7, v3;
	v4 =	vand.u32 $0xFFFFFFF0, v61  }
0x4b: {  	v3 =	vor.u32 v3, v4  }
0x4c: {  	v4 =	vperm.xlane v3, v0;
	_ =	sdelay $0x1  }
0x4d: {  	v3 =	vperm.xlane v3, v2;
	v4 =	vadd.s32 v1, v4;
	_ =	sdelay $0x1  }
0x4e: {  	v3 =	vadd.s32 v1, v3;
	_ =	sdelay $0x2  }
0x4f: {  	[tilespmem:s18], [sflag:$0x1] =	stream.indirect_vreg.gather [hbm4b:s3+s2], $0x80, v4, vm0, $0xb8;
	[tilespmem:$0x8080] =	vst v63  }
0x50: {  	_ = 	snop  }
0x51: {  	[tilespmem:s19], [sflag:$0x1] =	stream.indirect_vreg.gather [hbm4b:s3+s2], $0x80, v3, vm0, $0xb8;
	[tilespmem:$0x8080] =	vst v63  }
0x52: {  	v3 =	vld [tilespmem:$0x60];
	_ =	sdelay $0x4  }
0x53: {  	v62 =	vshll.u32 v3, $0x1  }
0x54: {  	v3 =	vand.u32 $0x7, v3;
	v4 =	vand.u32 $0xFFFFFFF0, v62  }
0x55: {  	v3 =	vor.u32 v3, v4  }
0x56: {  	v4 =	vperm.xlane v3, v0;
	_ =	sdelay $0x1  }
0x57: {  	v3 =	vperm.xlane v3, v2;
	v4 =	vadd.s32 v1, v4;
	_ =	sdelay $0x1  }
0x58: {  	v3 =	vadd.s32 v1, v3;
	_ =	sdelay $0x2  }
0x59: {  	[tilespmem:s20], [sflag:$0x1] =	stream.indirect_vreg.gather [hbm4b:s3+s2], $0x80, v4, vm0, $0xb8;
	[tilespmem:$0x8080] =	vst v63  }
0x5a: {  	_ = 	snop  }
0x5b: {  	[tilespmem:s21], [sflag:$0x1] =	stream.indirect_vreg.gather [hbm4b:s3+s2], $0x80, v3, vm0, $0xb8;
	[tilespmem:$0x8080] =	vst v63  }
0x5c: {  	v3 =	vld [tilespmem:$0x70];
	_ =	sdelay $0x4  }
0x5d: {  	v63 =	vshll.u32 v3, $0x1  }
0x5e: {  	v3 =	vand.u32 $0x7, v3;
	v4 =	vand.u32 $0xFFFFFFF0, v63  }
0x5f: {  	v3 =	vor.u32 v3, v4  }
0x60: {  	v4 =	vperm.xlane v3, v0;
	_ =	sdelay $0x1  }
0x61: {  	v3 =	vperm.xlane v3, v2;
	v4 =	vadd.s32 v1, v4;
	_ =	sdelay $0x1  }
0x62: {  	v3 =	vadd.s32 v1, v3;
	_ =	sdelay $0x2  }
0x63: {  	[tilespmem:s22], [sflag:$0x1] =	stream.indirect_vreg.gather [hbm4b:s3+s2], $0x80, v4, vm0, $0xb8;
	[tilespmem:$0x8080] =	vst v63  }
0x64: {  	_ = 	snop  }
0x65: {  	[tilespmem:s23], [sflag:$0x1] =	stream.indirect_vreg.gather [hbm4b:s3+s2], $0x80, v3, vm0, $0xb8;
	[tilespmem:$0x8080] =	vst v63  }
0x66: {  	_ =	swait.ge [sflag:s24], $0x8000  }
0x67: {  	p0 =	sne.s32 s28, $0x1F0;
	[sflag:s24] =	ssyncset.done $0x0  }
.Ltmp0:
0x68: {  	[sflag:s24] =	ssyncadd.s32 $0xFFFF8000;
	(pc) =	sbr.rel @p0 .LBB2_2-.Ltmp0, $4  }
0x69: {  	[hbm4b:s26+s2] =	stream.linear.scatter [tilespmem:s8], [sflag:$0x2], $0x8000, $0x38;
	[tilespmem:$0x8080] =	vst v63  }
0x6a: {  	_ =	swait.ge [sflag:s7], $0x8000  }
0x6b: {  	[sflag:s7] =	ssyncset.done $0x0  }
0x6c: {  	s28 =	sadd.s32 $0x10, s28;
	s26 =	sadd.s32 $0x1000, s26;
	[sflag:s7] =	ssyncadd.s32 $0xFFFF8000  }
0x6d: {  	s25 =	sadd.s32 $0x1, s25  }
0x6e: {  	p0 =	sne.s32 s25, s4  }
.Ltmp1:
0x6f: {  	_ = 	snop;
	(pc) =	sbr.rel @p0 .LBB2_1-.Ltmp1, $1  }
0x70: {  	_ =	sdelay $0x3  }
0x71: {  	_ =	sfence.sel $0x180000  }
0x72: {  	[bflag:$0x0] =	sbarrier.arrive $0xFFFF  }
0x73: {  	p0 =	sne.s32 s1, $0x0;
	_ =	strace $0x9000004D  }
0x74: {  	s0 =	sadd.s32 @!p0 $0x100000, s0;
	[bflag:$0x2] =	sbarrier.arrive $0xFFFF  }
0x75: {  	[sflag:s0] =	ssyncadd.tile.s32 @!p0 $0x1;
	_ =	shalt  }
.Lfunc_end2:
_tile_overlayer_lowered:
.L_overlay_start_2:
0x76: {  	(tag) =	ssettag $0x2  }
0x77: {  	s0 =	rddreg [dreg:$0x0];
	s2 =	stileid.u32  }
0x78: {  	s1 =	rddreg [dreg:$0x1];
	p0 =	sne.s32 s2, $0x0  }
0x79: {  	s3 =	rddreg [dreg:$0x2];
	[bflag:$0x3] =	sbarrier.arrive $0xFFFF;
	s2 =	simm.s32 @!p0 $0x1C02  }
0x7a: {  	[timem:s3], [sflag:s2] =	dma.local @!p0 [hbm:s0], s1  }
0x7b: {  	s0 =	simm.s32 @!p0 $0x2  }
0x7c: {  	_ =	swait.ge @!p0 [sflag:s0], s1  }
0x7d: {  	s1 =	ssub.s32 @!p0 $0x0, s1;
	[sflag:s0] =	ssyncset.done @!p0 $0x0  }
0x7e: {  	[sflag:s0] =	ssyncadd.s32 @!p0 s1  }
0x7f: {  	[bflag:$0x3] =	sbarrier.arrive $0xFFFF  }
0x80: {  	_ =	shalt  }

</sc_bundles>
